<compile_context>
chip_gen: v7x
topology: tpu7x:2x2x1
jax: 0.10.2.dev20260603
libtpu: 0.0.44.dev20260713+nightly
codegen_flags: <defaults>
</compile_context>

<pallas_src>
import functools

import jax
import jax.numpy as jnp
from jax import lax
from jax.experimental import pallas as pl
from jax.experimental.pallas import tpu as pltpu
from jax.experimental.pallas import tpu_sc as plsc

EMB_DIM = 64
BCHUNK = 128


@functools.cache
def _make_gather(batch: int, n_fields: int, n_emb: int):
  NC, NS = 2, 16
  NW = NC * NS
  assert batch % BCHUNK == 0
  blocks_per_field = batch // BCHUNK
  n_chunks = n_fields * blocks_per_field
  assert n_chunks % NW == 0
  ch_per_w = n_chunks // NW
  assert ch_per_w % 4 == 0

  mesh = plsc.VectorSubcoreMesh(core_axis_name="c", subcore_axis_name="s")

  @functools.partial(
      pl.kernel,
      out_type=jax.ShapeDtypeStruct((n_fields, EMB_DIM, batch), jnp.float32),
      mesh=mesh,
      scratch_types=[
          pltpu.VMEM((ch_per_w, BCHUNK), jnp.int32),
          pltpu.VMEM((4, BCHUNK, EMB_DIM), jnp.float32),
          pltpu.VMEM((2, EMB_DIM, BCHUNK + 1), jnp.float32),
          pltpu.SemaphoreType.DMA((4,)),
          pltpu.SemaphoreType.DMA((2,)),
      ],
      compiler_params=pltpu.CompilerParams(
          use_tc_tiling_on_sc=False, needs_layout_passes=False
      ),
  )
  def grab(idx_hbm, table_hbm, out_hbm, idx_v, rows_v, obuf_v, gsem, osem):
    wid = lax.axis_index("s") * NC + lax.axis_index("c")
    base_chunk = wid * ch_per_w
    pltpu.sync_copy(idx_hbm.at[pl.ds(base_chunk, ch_per_w)], idx_v)

    def gather(c, p):
      return pltpu.make_async_copy(
          table_hbm.at[idx_v.at[c]], rows_v.at[p], gsem.at[p]
      )

    def store(c, q):
      ci = base_chunk + c
      f = ci // blocks_per_field
      b0 = (ci % blocks_per_field) * BCHUNK
      return pltpu.make_async_copy(
          obuf_v.at[q, :, pl.ds(0, BCHUNK)],
          out_hbm.at[f, :, pl.ds(b0, BCHUNK)],
          osem.at[q],
      )

    iota16 = lax.iota(jnp.int32, 16)
    jvecs = [iota16 + 16 * g for g in range(EMB_DIM // 16)]

    gather(0, 0).start()
    gather(1, 1).start()

    @pl.loop(0, ch_per_w, step=4)
    def _(c0):
      for p in range(4):
        c = c0 + p
        q = p % 2
        gather(c, p).wait()

        @pl.when(c + 2 < ch_per_w)
        def _():
          gather(c + 2, (p + 2) % 4).start()

        @pl.when(c >= 2)
        def _():
          store(c - 2, q).wait()

        src = rows_v.at[p]
        dst = obuf_v.at[q]

        @plsc.parallel_loop(0, BCHUNK, unroll=4)
        def _(b):
          bb = jnp.full((16,), b, jnp.int32)
          for g in range(EMB_DIM // 16):
            v = src[b, pl.ds(16 * g, 16)]
            plsc.store_scatter(dst, [jvecs[g], bb], v)

        store(c, q).start()

    store(ch_per_w - 2, 0).wait()
    store(ch_per_w - 1, 1).wait()

  return grab


def kernel(input, embedding_weight):
  b, f = input.shape
  idx = input.astype(jnp.int32).T.reshape(f * (b // BCHUNK), BCHUNK)
  grab = _make_gather(b, f, embedding_weight.shape[0])
  out_t = grab(idx, embedding_weight)
  return out_t.transpose(2, 0, 1).astype(jnp.bfloat16)

# --- scband reference (transcript-rebuilt; emitter-appended) ---
"""Pipeline reference for scband-casted-embedding-1958505087646 (READ-ONLY COPY).

The authoritative reference and input builder live on the scoring server;
editing this copy changes nothing except your own understanding.
"""

import jax, jax.numpy as jnp
import numpy as np

NUM_EMBEDDINGS = 1000000
EMBEDDING_DIM = 64
INIT_STD = 0.02
BATCH = 16384
N_FIELDS = 26

def setup_inputs(seed: int = 0) -> dict:
    key = jax.random.key(seed)
    k_idx, k_w = jax.random.split(key)
    input_ids = jax.random.randint(k_idx, (BATCH, N_FIELDS), 0, NUM_EMBEDDINGS, dtype=jnp.int64 if jax.config.jax_enable_x64 else jnp.int32)
    # truncated-normal init, std=INIT_STD (matches trunc_normal_init_)
    embedding_weight = (jax.random.truncated_normal(k_w, -2.0, 2.0, (NUM_EMBEDDINGS, EMBEDDING_DIM), dtype=jnp.float32) * INIT_STD)
    return {"input": input_ids, "embedding_weight": embedding_weight}

def reference(input, embedding_weight):
    # CastedEmbedding.forward: F.embedding(input, weight.to(cast_to)) with cast_to=bfloat16
    w = embedding_weight.astype(jnp.bfloat16)
    return jnp.take(w, input, axis=0)

if __name__ == "__main__":
    import jax
    _d = setup_inputs()
    print(jax.jit(kernel)(*tuple(_d.values())))

</pallas_src>

<mosaic_0001>
#map = affine_map<(d0, d1) -> (0, 0)>
#map1 = affine_map<(d0, d1) -> (0, 0, 0)>
module attributes {stable_mosaic.version = 14 : i64} {
  func.func @grab(%arg0: i32, %arg1: i32, %arg2: memref<3328x128xi32, #tpu.memory_space<hbm>>, %arg3: memref<1000000x64xf32, #tpu.memory_space<hbm>>, %arg4: memref<26x64x16384xf32, #tpu.memory_space<hbm>>, %arg5: memref<104x128xi32, #tpu.memory_space<vmem>>, %arg6: memref<4x128x64xf32, #tpu.memory_space<vmem>>, %arg7: memref<2x64x129xf32, #tpu.memory_space<vmem>>, %arg8: memref<4x!tpu.dma_semaphore, #tpu.memory_space<semaphore_mem>>, %arg9: memref<2x!tpu.dma_semaphore, #tpu.memory_space<semaphore_mem>>) attributes {dimension_semantics = [#tpu.dimension_semantics<core_parallel>, #tpu.dimension_semantics<subcore_parallel>], iteration_bounds = array<i64: 2, 16>, scalar_prefetch = 0 : i64, scratch_operands = 5 : i64, tpu.core_type = #tpu.core_type<sc_vector_subcore>, window_params = [{transform_indices = #map}, {transform_indices = #map}, {transform_indices = #map1}]} {
    %mul3A = arith.constant 2 : i32
    %mul3A_0 = arith.muli %arg1, %mul3A : i32
    %add3A = arith.addi %mul3A_0, %arg0 : i32
    %mul3A_1 = arith.constant 104 : i32
    %mul3A_2 = arith.muli %add3A, %mul3A_1 : i32
    "tpu.region"() ({
      %run_scoped3A = tpu.sem_alloc : memref<!tpu.dma_semaphore, #tpu.memory_space<semaphore_mem>>
      %dma_start3A_161 = arith.constant 0 : i32
      %dma_start3A_162 = tpu.memref_slice %arg2[%mul3A_2, %dma_start3A_161] : memref<3328x128xi32, #tpu.memory_space<hbm>> -> memref<104x128xi32, #tpu.memory_space<hbm>>
      %dma_start3A_163 = arith.constant 0 : i32
      %dma_start3A_164 = tpu.memref_slice %arg2[%mul3A_2, %dma_start3A_163] : memref<3328x128xi32, #tpu.memory_space<hbm>> -> memref<104x128xi32, #tpu.memory_space<hbm>>
      tpu.enqueue_dma source(%dma_start3A_164 : memref<104x128xi32, #tpu.memory_space<hbm>>) target(%arg5 : memref<104x128xi32, #tpu.memory_space<vmem>>) target_semaphore(%run_scoped3A : memref<!tpu.dma_semaphore, #tpu.memory_space<semaphore_mem>>)
      %dma_wait3A_165 = arith.constant 0 : i32
      %dma_wait3A_166 = tpu.memref_slice %arg2[%mul3A_2, %dma_wait3A_165] : memref<3328x128xi32, #tpu.memory_space<hbm>> -> memref<104x128xi32, #tpu.memory_space<hbm>>
      %dma_wait3A_167 = arith.constant 0 : i32
      %dma_wait3A_168 = tpu.memref_slice %arg2[%mul3A_2, %dma_wait3A_167] : memref<3328x128xi32, #tpu.memory_space<hbm>> -> memref<104x128xi32, #tpu.memory_space<hbm>>
      tpu.wait_dma2 semaphore(%run_scoped3A : memref<!tpu.dma_semaphore, #tpu.memory_space<semaphore_mem>>) src(%dma_wait3A_168 : memref<104x128xi32, #tpu.memory_space<hbm>>) dst(%arg5 : memref<104x128xi32, #tpu.memory_space<vmem>>)
      tpu.yield
    }) : () -> ()
    %iota3A = tpu.iota {dimensions = array<i32: 0>} : vector<16xi32>
    %add3A_3 = arith.constant 0 : i32
    %add3A_4 = vector.broadcast %add3A_3 : i32 to vector<16xi32>
    %add3A_5 = arith.addi %iota3A, %add3A_4 : vector<16xi32>
    %add3A_6 = arith.constant 16 : i32
    %add3A_7 = vector.broadcast %add3A_6 : i32 to vector<16xi32>
    %add3A_8 = arith.addi %iota3A, %add3A_7 : vector<16xi32>
    %add3A_9 = arith.constant 32 : i32
    %add3A_10 = vector.broadcast %add3A_9 : i32 to vector<16xi32>
    %add3A_11 = arith.addi %iota3A, %add3A_10 : vector<16xi32>
    %add3A_12 = arith.constant 48 : i32
    %add3A_13 = vector.broadcast %add3A_12 : i32 to vector<16xi32>
    %add3A_14 = arith.addi %iota3A, %add3A_13 : vector<16xi32>
    %dma_start3A = arith.constant 0 : i32
    %dma_start3A_15 = arith.constant 0 : i32
    %dma_start3A_16 = arith.constant 0 : i32
    %dma_start3A_17 = arith.constant 0 : i32
    %dma_start3A_18 = arith.constant 0 : i32
    %dma_start3A_19 = tpu.memref_slice %arg6[%dma_start3A_15, %dma_start3A_17, %dma_start3A_18] : memref<4x128x64xf32, #tpu.memory_space<vmem>> -> memref<1x128x64xf32, #tpu.memory_space<vmem>>
    %dma_start3A_20 = tpu.memref_squeeze %dma_start3A_19 : memref<1x128x64xf32, #tpu.memory_space<vmem>> -> memref<128x64xf32, #tpu.memory_space<vmem>>
    %dma_start3A_21 = arith.constant 0 : i32
    %dma_start3A_22 = tpu.memref_slice %arg5[%dma_start3A, %dma_start3A_21] : memref<104x128xi32, #tpu.memory_space<vmem>> -> memref<1x128xi32, #tpu.memory_space<vmem>>
    %dma_start3A_23 = tpu.memref_squeeze %dma_start3A_22 : memref<1x128xi32, #tpu.memory_space<vmem>> -> memref<128xi32, #tpu.memory_space<vmem>>
    %dma_start3A_24 = arith.constant 0 : i32
    %dma_start3A_25 = arith.constant 0 : i32
    %dma_start3A_26 = tpu.memref_slice %arg3[%dma_start3A_24, %dma_start3A_25] : memref<1000000x64xf32, #tpu.memory_space<hbm>> -> memref<1000000x64xf32, #tpu.memory_space<hbm>>
    %dma_start3A_27 = tpu.memref_slice %arg8[%dma_start3A_16] : memref<4x!tpu.dma_semaphore, #tpu.memory_space<semaphore_mem>> -> memref<1x!tpu.dma_semaphore, #tpu.memory_space<semaphore_mem>>
    %dma_start3A_28 = tpu.memref_squeeze %dma_start3A_27 : memref<1x!tpu.dma_semaphore, #tpu.memory_space<semaphore_mem>> -> memref<!tpu.dma_semaphore, #tpu.memory_space<semaphore_mem>>
    tpu.enqueue_indirect_dma source(%dma_start3A_26 : memref<1000000x64xf32, #tpu.memory_space<hbm>>) target(%dma_start3A_20 : memref<128x64xf32, #tpu.memory_space<vmem>>) offsets(%dma_start3A_23 : memref<128xi32, #tpu.memory_space<vmem>>) semaphore(%dma_start3A_28 : memref<!tpu.dma_semaphore, #tpu.memory_space<semaphore_mem>>)
    %dma_start3A_29 = arith.constant 1 : i32
    %dma_start3A_30 = arith.constant 1 : i32
    %dma_start3A_31 = arith.constant 1 : i32
    %dma_start3A_32 = arith.constant 0 : i32
    %dma_start3A_33 = arith.constant 0 : i32
    %dma_start3A_34 = tpu.memref_slice %arg6[%dma_start3A_30, %dma_start3A_32, %dma_start3A_33] : memref<4x128x64xf32, #tpu.memory_space<vmem>> -> memref<1x128x64xf32, #tpu.memory_space<vmem>>
    %dma_start3A_35 = tpu.memref_squeeze %dma_start3A_34 : memref<1x128x64xf32, #tpu.memory_space<vmem>> -> memref<128x64xf32, #tpu.memory_space<vmem>>
    %dma_start3A_36 = arith.constant 0 : i32
    %dma_start3A_37 = tpu.memref_slice %arg5[%dma_start3A_29, %dma_start3A_36] : memref<104x128xi32, #tpu.memory_space<vmem>> -> memref<1x128xi32, #tpu.memory_space<vmem>>
    %dma_start3A_38 = tpu.memref_squeeze %dma_start3A_37 : memref<1x128xi32, #tpu.memory_space<vmem>> -> memref<128xi32, #tpu.memory_space<vmem>>
    %dma_start3A_39 = arith.constant 0 : i32
    %dma_start3A_40 = arith.constant 0 : i32
    %dma_start3A_41 = tpu.memref_slice %arg3[%dma_start3A_39, %dma_start3A_40] : memref<1000000x64xf32, #tpu.memory_space<hbm>> -> memref<1000000x64xf32, #tpu.memory_space<hbm>>
    %dma_start3A_42 = tpu.memref_slice %arg8[%dma_start3A_31] : memref<4x!tpu.dma_semaphore, #tpu.memory_space<semaphore_mem>> -> memref<1x!tpu.dma_semaphore, #tpu.memory_space<semaphore_mem>>
    %dma_start3A_43 = tpu.memref_squeeze %dma_start3A_42 : memref<1x!tpu.dma_semaphore, #tpu.memory_space<semaphore_mem>> -> memref<!tpu.dma_semaphore, #tpu.memory_space<semaphore_mem>>
    tpu.enqueue_indirect_dma source(%dma_start3A_41 : memref<1000000x64xf32, #tpu.memory_space<hbm>>) target(%dma_start3A_35 : memref<128x64xf32, #tpu.memory_space<vmem>>) offsets(%dma_start3A_38 : memref<128xi32, #tpu.memory_space<vmem>>) semaphore(%dma_start3A_43 : memref<!tpu.dma_semaphore, #tpu.memory_space<semaphore_mem>>)
    %scan3A = arith.constant 0 : i32
    %scan3A_44 = arith.constant 26 : i32
    %scan3A_45 = arith.addi %scan3A, %scan3A_44 : i32
    %scan3A_46 = arith.constant 1 : i32
    scf.for %scan3A_161 = %scan3A to %scan3A_45 step %scan3A_46  : i32 {
      %mul3A_162 = arith.constant 4 : i32
      %mul3A_163 = arith.muli %scan3A_161, %mul3A_162 : i32
      %add3A_164 = arith.constant 0 : i32
      %add3A_165 = arith.addi %add3A_164, %mul3A_163 : i32
      %add3A_166 = arith.constant 0 : i32
      %add3A_167 = arith.addi %add3A_165, %add3A_166 : i32
      %dma_wait3A_168 = arith.constant 0 : i32
      %dma_wait3A_169 = arith.constant 0 : i32
      %dma_wait3A_170 = arith.constant 0 : i32
      %dma_wait3A_171 = arith.constant 0 : i32
      %dma_wait3A_172 = tpu.memref_slice %arg6[%dma_wait3A_168, %dma_wait3A_170, %dma_wait3A_171] : memref<4x128x64xf32, #tpu.memory_space<vmem>> -> memref<1x128x64xf32, #tpu.memory_space<vmem>>
      %dma_wait3A_173 = tpu.memref_squeeze %dma_wait3A_172 : memref<1x128x64xf32, #tpu.memory_space<vmem>> -> memref<128x64xf32, #tpu.memory_space<vmem>>
      %dma_wait3A_174 = arith.constant 0 : i32
      %dma_wait3A_175 = tpu.memref_slice %arg5[%add3A_167, %dma_wait3A_174] : memref<104x128xi32, #tpu.memory_space<vmem>> -> memref<1x128xi32, #tpu.memory_space<vmem>>
      %dma_wait3A_176 = tpu.memref_squeeze %dma_wait3A_175 : memref<1x128xi32, #tpu.memory_space<vmem>> -> memref<128xi32, #tpu.memory_space<vmem>>
      %dma_wait3A_177 = arith.constant 0 : i32
      %dma_wait3A_178 = arith.constant 0 : i32
      %dma_wait3A_179 = tpu.memref_slice %arg3[%dma_wait3A_177, %dma_wait3A_178] : memref<1000000x64xf32, #tpu.memory_space<hbm>> -> memref<1000000x64xf32, #tpu.memory_space<hbm>>
      %dma_wait3A_180 = tpu.memref_slice %arg8[%dma_wait3A_169] : memref<4x!tpu.dma_semaphore, #tpu.memory_space<semaphore_mem>> -> memref<1x!tpu.dma_semaphore, #tpu.memory_space<semaphore_mem>>
      %dma_wait3A_181 = tpu.memref_squeeze %dma_wait3A_180 : memref<1x!tpu.dma_semaphore, #tpu.memory_space<semaphore_mem>> -> memref<!tpu.dma_semaphore, #tpu.memory_space<semaphore_mem>>
      tpu.wait_indirect_dma semaphore(%dma_wait3A_181 : memref<!tpu.dma_semaphore, #tpu.memory_space<semaphore_mem>>) src(%dma_wait3A_179 : memref<1000000x64xf32, #tpu.memory_space<hbm>>) dst(%dma_wait3A_173 : memref<128x64xf32, #tpu.memory_space<vmem>>)
      %add3A_182 = arith.constant 2 : i32
      %add3A_183 = arith.addi %add3A_167, %add3A_182 : i32
      %lt3A_184 = arith.constant 104 : i32
      %lt3A_185 = arith.cmpi slt, %add3A_183, %lt3A_184 : i32
      %convert_element_type3A = arith.extui %lt3A_185 : i1 to i32
      %cond3A = arith.constant 0 : i32
      %cond3A_186 = arith.cmpi ne, %convert_element_type3A, %cond3A : i32
      scf.if %cond3A_186 {
        %add3A_538 = arith.constant 2 : i32
        %add3A_539 = arith.addi %add3A_167, %add3A_538 : i32
        %dma_start3A_540 = arith.constant 2 : i32
        %dma_start3A_541 = arith.constant 2 : i32
        %dma_start3A_542 = arith.constant 0 : i32
        %dma_start3A_543 = arith.constant 0 : i32
        %dma_start3A_544 = tpu.memref_slice %arg6[%dma_start3A_540, %dma_start3A_542, %dma_start3A_543] : memref<4x128x64xf32, #tpu.memory_space<vmem>> -> memref<1x128x64xf32, #tpu.memory_space<vmem>>
        %dma_start3A_545 = tpu.memref_squeeze %dma_start3A_544 : memref<1x128x64xf32, #tpu.memory_space<vmem>> -> memref<128x64xf32, #tpu.memory_space<vmem>>
        %dma_start3A_546 = arith.constant 0 : i32
        %dma_start3A_547 = tpu.memref_slice %arg5[%add3A_539, %dma_start3A_546] : memref<104x128xi32, #tpu.memory_space<vmem>> -> memref<1x128xi32, #tpu.memory_space<vmem>>
        %dma_start3A_548 = tpu.memref_squeeze %dma_start3A_547 : memref<1x128xi32, #tpu.memory_space<vmem>> -> memref<128xi32, #tpu.memory_space<vmem>>
        %dma_start3A_549 = arith.constant 0 : i32
        %dma_start3A_550 = arith.constant 0 : i32
        %dma_start3A_551 = tpu.memref_slice %arg3[%dma_start3A_549, %dma_start3A_550] : memref<1000000x64xf32, #tpu.memory_space<hbm>> -> memref<1000000x64xf32, #tpu.memory_space<hbm>>
        %dma_start3A_552 = tpu.memref_slice %arg8[%dma_start3A_541] : memref<4x!tpu.dma_semaphore, #tpu.memory_space<semaphore_mem>> -> memref<1x!tpu.dma_semaphore, #tpu.memory_space<semaphore_mem>>
        %dma_start3A_553 = tpu.memref_squeeze %dma_start3A_552 : memref<1x!tpu.dma_semaphore, #tpu.memory_space<semaphore_mem>> -> memref<!tpu.dma_semaphore, #tpu.memory_space<semaphore_mem>>
        tpu.enqueue_indirect_dma source(%dma_start3A_551 : memref<1000000x64xf32, #tpu.memory_space<hbm>>) target(%dma_start3A_545 : memref<128x64xf32, #tpu.memory_space<vmem>>) offsets(%dma_start3A_548 : memref<128xi32, #tpu.memory_space<vmem>>) semaphore(%dma_start3A_553 : memref<!tpu.dma_semaphore, #tpu.memory_space<semaphore_mem>>)
      } else {
      }
      %ge3A = arith.constant 2 : i32
      %ge3A_187 = arith.cmpi sge, %add3A_167, %ge3A : i32
      %convert_element_type3A_188 = arith.extui %ge3A_187 : i1 to i32
      %cond3A_189 = arith.constant 0 : i32
      %cond3A_190 = arith.cmpi ne, %convert_element_type3A_188, %cond3A_189 : i32
      scf.if %cond3A_190 {
        %sub3A_538 = arith.constant 2 : i32
        %sub3A_539 = arith.subi %add3A_167, %sub3A_538 : i32
        %add3A_540 = arith.addi %mul3A_2, %sub3A_539 : i32
        %jit3A_541 = arith.constant 128 : i32
        %div3A_542 = arith.divsi %add3A_540, %jit3A_541 : i32
        %sign3A_543 = arith.constant 0 : i32
        %sign3A_544 = arith.cmpi sgt, %add3A_540, %sign3A_543 : i32
        %sign3A_545 = arith.extui %sign3A_544 : i1 to i32
        %sign3A_546 = arith.constant 0 : i32
        %sign3A_547 = arith.cmpi slt, %add3A_540, %sign3A_546 : i32
        %sign3A_548 = arith.extui %sign3A_547 : i1 to i32
        %sign3A_549 = arith.subi %sign3A_545, %sign3A_548 : i32
        %sign3A_550 = arith.constant 0 : i32
        %sign3A_551 = arith.cmpi sgt, %jit3A_541, %sign3A_550 : i32
        %sign3A_552 = arith.extui %sign3A_551 : i1 to i32
        %sign3A_553 = arith.constant 0 : i32
        %sign3A_554 = arith.cmpi slt, %jit3A_541, %sign3A_553 : i32
        %sign3A_555 = arith.extui %sign3A_554 : i1 to i32
        %sign3A_556 = arith.subi %sign3A_552, %sign3A_555 : i32
        %ne3A_557 = arith.cmpi ne, %sign3A_549, %sign3A_556 : i32
        %rem3A_558 = arith.remsi %add3A_540, %jit3A_541 : i32
        %ne3A_559 = arith.constant 0 : i32
        %ne3A_560 = arith.cmpi ne, %rem3A_558, %ne3A_559 : i32
        %and3A_561 = arith.andi %ne3A_557, %ne3A_560 : i1
        %sub3A_562 = arith.constant 1 : i32
        %sub3A_563 = arith.subi %div3A_542, %sub3A_562 : i32
        %select_n3A_564 = arith.select %and3A_561, %sub3A_563, %div3A_542 : i32
        %jit3A_565 = arith.constant 128 : i32
        %eq3A_566 = arith.constant 0 : i32
        %eq3A_567 = arith.cmpi eq, %jit3A_565, %eq3A_566 : i32
        %jit3A_568 = arith.constant 1 : i32
        %select_n3A_569 = arith.select %eq3A_567, %jit3A_568, %jit3A_565 : i32
        %rem3A_570 = arith.remsi %add3A_540, %select_n3A_569 : i32
        %ne3A_571 = arith.constant 0 : i32
        %ne3A_572 = arith.cmpi ne, %rem3A_570, %ne3A_571 : i32
        %lt3A_573 = arith.constant 0 : i32
        %lt3A_574 = arith.cmpi slt, %rem3A_570, %lt3A_573 : i32
        %lt3A_575 = arith.constant 0 : i32
        %lt3A_576 = arith.cmpi slt, %select_n3A_569, %lt3A_575 : i32
        %ne3A_577 = arith.xori %lt3A_574, %lt3A_576 : i1
        %and3A_578 = arith.andi %ne3A_577, %ne3A_572 : i1
        %add3A_579 = arith.addi %rem3A_570, %select_n3A_569 : i32
        %select_n3A_580 = arith.select %and3A_578, %add3A_579, %rem3A_570 : i32
        %mul3A_581 = arith.constant 128 : i32
        %mul3A_582 = arith.muli %select_n3A_580, %mul3A_581 : i32
        %dma_wait3A_583 = arith.constant 0 : i32
        %dma_wait3A_584 = arith.constant 0 : i32
        %dma_wait3A_585 = arith.constant 0 : i32
        %dma_wait3A_586 = arith.constant 0 : i32
        %dma_wait3A_587 = tpu.memref_slice %arg7[%dma_wait3A_583, %dma_wait3A_585, %dma_wait3A_586] : memref<2x64x129xf32, #tpu.memory_space<vmem>> -> memref<1x64x128xf32, #tpu.memory_space<vmem>>
        %dma_wait3A_588 = tpu.memref_squeeze %dma_wait3A_587 : memref<1x64x128xf32, #tpu.memory_space<vmem>> -> memref<64x128xf32, #tpu.memory_space<vmem>>
        %dma_wait3A_589 = arith.constant 0 : i32
        %dma_wait3A_590 = tpu.memref_slice %arg4[%select_n3A_564, %dma_wait3A_589, %mul3A_582] : memref<26x64x16384xf32, #tpu.memory_space<hbm>> -> memref<1x64x128xf32, #tpu.memory_space<hbm>>
        %dma_wait3A_591 = tpu.memref_squeeze %dma_wait3A_590 : memref<1x64x128xf32, #tpu.memory_space<hbm>> -> memref<64x128xf32, #tpu.memory_space<hbm>>
        %dma_wait3A_592 = tpu.memref_slice %arg9[%dma_wait3A_584] : memref<2x!tpu.dma_semaphore, #tpu.memory_space<semaphore_mem>> -> memref<1x!tpu.dma_semaphore, #tpu.memory_space<semaphore_mem>>
        %dma_wait3A_593 = tpu.memref_squeeze %dma_wait3A_592 : memref<1x!tpu.dma_semaphore, #tpu.memory_space<semaphore_mem>> -> memref<!tpu.dma_semaphore, #tpu.memory_space<semaphore_mem>>
        %dma_wait3A_594 = arith.constant 0 : i32
        %dma_wait3A_595 = tpu.memref_slice %arg4[%select_n3A_564, %dma_wait3A_594, %mul3A_582] : memref<26x64x16384xf32, #tpu.memory_space<hbm>> -> memref<1x64x128xf32, #tpu.memory_space<hbm>>
        %dma_wait3A_596 = tpu.memref_squeeze %dma_wait3A_595 : memref<1x64x128xf32, #tpu.memory_space<hbm>> -> memref<64x128xf32, #tpu.memory_space<hbm>>
        %dma_wait3A_597 = arith.constant 0 : i32
        %dma_wait3A_598 = arith.constant 0 : i32
        %dma_wait3A_599 = tpu.memref_slice %arg7[%dma_wait3A_583, %dma_wait3A_597, %dma_wait3A_598] : memref<2x64x129xf32, #tpu.memory_space<vmem>> -> memref<1x64x128xf32, #tpu.memory_space<vmem>>
        %dma_wait3A_600 = tpu.memref_squeeze %dma_wait3A_599 : memref<1x64x128xf32, #tpu.memory_space<vmem>> -> memref<64x128xf32, #tpu.memory_space<vmem>>
        tpu.wait_dma2 semaphore(%dma_wait3A_593 : memref<!tpu.dma_semaphore, #tpu.memory_space<semaphore_mem>>) src(%dma_wait3A_600 : memref<64x128xf32, #tpu.memory_space<vmem>>) dst(%dma_wait3A_596 : memref<64x128xf32, #tpu.memory_space<hbm>>)
      } else {
      }
      %parallel_loop3A = arith.constant 0 : i32
      %parallel_loop3A_191 = arith.constant 128 : i32
      %parallel_loop3A_192 = arith.constant 1 : i32
      %parallel_loop3A_193 = arith.constant 0 : i32
      %parallel_loop3A_194 = arith.constant 0 : i32
      scf.for %parallel_loop3A_538 = %parallel_loop3A to %parallel_loop3A_191 step %parallel_loop3A_192  : i32 {
        %parallel_loop3A_539 = vector.broadcast %parallel_loop3A_538 : i32 to vector<16xi32>
        %parallel_loop3A_540 = arith.constant 0 : i32
        %parallel_loop3A_541 = arith.constant 0 : i32
        %parallel_loop3A_542 = tpu.memref_slice %arg6[%parallel_loop3A_193, %parallel_loop3A_540, %parallel_loop3A_541] : memref<4x128x64xf32, #tpu.memory_space<vmem>> -> memref<1x128x64xf32, #tpu.memory_space<vmem>>
        %parallel_loop3A_543 = tpu.memref_squeeze %parallel_loop3A_542 : memref<1x128x64xf32, #tpu.memory_space<vmem>> -> memref<128x64xf32, #tpu.memory_space<vmem>>
        %parallel_loop3A_544 = arith.index_cast %parallel_loop3A_538 : i32 to index
        %parallel_loop3A_545 = arith.constant 0 : index
        %parallel_loop3A_546 = tpu.vector_load %parallel_loop3A_543[%parallel_loop3A_544, %parallel_loop3A_545] {strides = array<i32>} : memref<128x64xf32, #tpu.memory_space<vmem>>, vector<16xf32>,
        %parallel_loop3A_547 = arith.constant 0 : i32
        %parallel_loop3A_548 = arith.constant 0 : i32
        %parallel_loop3A_549 = tpu.memref_slice %arg7[%parallel_loop3A_194, %parallel_loop3A_547, %parallel_loop3A_548] : memref<2x64x129xf32, #tpu.memory_space<vmem>> -> memref<1x64x129xf32, #tpu.memory_space<vmem>>
        %parallel_loop3A_550 = tpu.memref_squeeze %parallel_loop3A_549 : memref<1x64x129xf32, #tpu.memory_space<vmem>> -> memref<64x129xf32, #tpu.memory_space<vmem>>
        tpu.vector_store_idx %parallel_loop3A_550[%add3A_5, %parallel_loop3A_539], %parallel_loop3A_546 : memref<64x129xf32, #tpu.memory_space<vmem>>[vector<16xi32>, vector<16xi32>], vector<16xf32>,
        %parallel_loop3A_551 = arith.constant 0 : i32
        %parallel_loop3A_552 = arith.constant 0 : i32
        %parallel_loop3A_553 = tpu.memref_slice %arg6[%parallel_loop3A_193, %parallel_loop3A_551, %parallel_loop3A_552] : memref<4x128x64xf32, #tpu.memory_space<vmem>> -> memref<1x128x64xf32, #tpu.memory_space<vmem>>
        %parallel_loop3A_554 = tpu.memref_squeeze %parallel_loop3A_553 : memref<1x128x64xf32, #tpu.memory_space<vmem>> -> memref<128x64xf32, #tpu.memory_space<vmem>>
        %parallel_loop3A_555 = arith.index_cast %parallel_loop3A_538 : i32 to index
        %parallel_loop3A_556 = arith.constant 16 : index
        %parallel_loop3A_557 = tpu.vector_load %parallel_loop3A_554[%parallel_loop3A_555, %parallel_loop3A_556] {strides = array<i32>} : memref<128x64xf32, #tpu.memory_space<vmem>>, vector<16xf32>,
        %parallel_loop3A_558 = arith.constant 0 : i32
        %parallel_loop3A_559 = arith.constant 0 : i32
        %parallel_loop3A_560 = tpu.memref_slice %arg7[%parallel_loop3A_194, %parallel_loop3A_558, %parallel_loop3A_559] : memref<2x64x129xf32, #tpu.memory_space<vmem>> -> memref<1x64x129xf32, #tpu.memory_space<vmem>>
        %parallel_loop3A_561 = tpu.memref_squeeze %parallel_loop3A_560 : memref<1x64x129xf32, #tpu.memory_space<vmem>> -> memref<64x129xf32, #tpu.memory_space<vmem>>
        tpu.vector_store_idx %parallel_loop3A_561[%add3A_8, %parallel_loop3A_539], %parallel_loop3A_557 : memref<64x129xf32, #tpu.memory_space<vmem>>[vector<16xi32>, vector<16xi32>], vector<16xf32>,
        %parallel_loop3A_562 = arith.constant 0 : i32
        %parallel_loop3A_563 = arith.constant 0 : i32
        %parallel_loop3A_564 = tpu.memref_slice %arg6[%parallel_loop3A_193, %parallel_loop3A_562, %parallel_loop3A_563] : memref<4x128x64xf32, #tpu.memory_space<vmem>> -> memref<1x128x64xf32, #tpu.memory_space<vmem>>
        %parallel_loop3A_565 = tpu.memref_squeeze %parallel_loop3A_564 : memref<1x128x64xf32, #tpu.memory_space<vmem>> -> memref<128x64xf32, #tpu.memory_space<vmem>>
        %parallel_loop3A_566 = arith.index_cast %parallel_loop3A_538 : i32 to index
        %parallel_loop3A_567 = arith.constant 32 : index
        %parallel_loop3A_568 = tpu.vector_load %parallel_loop3A_565[%parallel_loop3A_566, %parallel_loop3A_567] {strides = array<i32>} : memref<128x64xf32, #tpu.memory_space<vmem>>, vector<16xf32>,
        %parallel_loop3A_569 = arith.constant 0 : i32
        %parallel_loop3A_570 = arith.constant 0 : i32
        %parallel_loop3A_571 = tpu.memref_slice %arg7[%parallel_loop3A_194, %parallel_loop3A_569, %parallel_loop3A_570] : memref<2x64x129xf32, #tpu.memory_space<vmem>> -> memref<1x64x129xf32, #tpu.memory_space<vmem>>
        %parallel_loop3A_572 = tpu.memref_squeeze %parallel_loop3A_571 : memref<1x64x129xf32, #tpu.memory_space<vmem>> -> memref<64x129xf32, #tpu.memory_space<vmem>>
        tpu.vector_store_idx %parallel_loop3A_572[%add3A_11, %parallel_loop3A_539], %parallel_loop3A_568 : memref<64x129xf32, #tpu.memory_space<vmem>>[vector<16xi32>, vector<16xi32>], vector<16xf32>,
        %parallel_loop3A_573 = arith.constant 0 : i32
        %parallel_loop3A_574 = arith.constant 0 : i32
        %parallel_loop3A_575 = tpu.memref_slice %arg6[%parallel_loop3A_193, %parallel_loop3A_573, %parallel_loop3A_574] : memref<4x128x64xf32, #tpu.memory_space<vmem>> -> memref<1x128x64xf32, #tpu.memory_space<vmem>>
        %parallel_loop3A_576 = tpu.memref_squeeze %parallel_loop3A_575 : memref<1x128x64xf32, #tpu.memory_space<vmem>> -> memref<128x64xf32, #tpu.memory_space<vmem>>
        %parallel_loop3A_577 = arith.index_cast %parallel_loop3A_538 : i32 to index
        %parallel_loop3A_578 = arith.constant 48 : index
        %parallel_loop3A_579 = tpu.vector_load %parallel_loop3A_576[%parallel_loop3A_577, %parallel_loop3A_578] {strides = array<i32>} : memref<128x64xf32, #tpu.memory_space<vmem>>, vector<16xf32>,
        %parallel_loop3A_580 = arith.constant 0 : i32
        %parallel_loop3A_581 = arith.constant 0 : i32
        %parallel_loop3A_582 = tpu.memref_slice %arg7[%parallel_loop3A_194, %parallel_loop3A_580, %parallel_loop3A_581] : memref<2x64x129xf32, #tpu.memory_space<vmem>> -> memref<1x64x129xf32, #tpu.memory_space<vmem>>
        %parallel_loop3A_583 = tpu.memref_squeeze %parallel_loop3A_582 : memref<1x64x129xf32, #tpu.memory_space<vmem>> -> memref<64x129xf32, #tpu.memory_space<vmem>>
        tpu.vector_store_idx %parallel_loop3A_583[%add3A_14, %parallel_loop3A_539], %parallel_loop3A_579 : memref<64x129xf32, #tpu.memory_space<vmem>>[vector<16xi32>, vector<16xi32>], vector<16xf32>,
      } {sc.loop_unroll_factor = 4 : i64, sc.parallel_access}
      %add3A_195 = arith.addi %mul3A_2, %add3A_167 : i32
      %jit3A_196 = arith.constant 128 : i32
      %div3A_197 = arith.divsi %add3A_195, %jit3A_196 : i32
      %sign3A_198 = arith.constant 0 : i32
      %sign3A_199 = arith.cmpi sgt, %add3A_195, %sign3A_198 : i32
      %sign3A_200 = arith.extui %sign3A_199 : i1 to i32
      %sign3A_201 = arith.constant 0 : i32
      %sign3A_202 = arith.cmpi slt, %add3A_195, %sign3A_201 : i32
      %sign3A_203 = arith.extui %sign3A_202 : i1 to i32
      %sign3A_204 = arith.subi %sign3A_200, %sign3A_203 : i32
      %sign3A_205 = arith.constant 0 : i32
      %sign3A_206 = arith.cmpi sgt, %jit3A_196, %sign3A_205 : i32
      %sign3A_207 = arith.extui %sign3A_206 : i1 to i32
      %sign3A_208 = arith.constant 0 : i32
      %sign3A_209 = arith.cmpi slt, %jit3A_196, %sign3A_208 : i32
      %sign3A_210 = arith.extui %sign3A_209 : i1 to i32
      %sign3A_211 = arith.subi %sign3A_207, %sign3A_210 : i32
      %ne3A_212 = arith.cmpi ne, %sign3A_204, %sign3A_211 : i32
      %rem3A_213 = arith.remsi %add3A_195, %jit3A_196 : i32
      %ne3A_214 = arith.constant 0 : i32
      %ne3A_215 = arith.cmpi ne, %rem3A_213, %ne3A_214 : i32
      %and3A_216 = arith.andi %ne3A_212, %ne3A_215 : i1
      %sub3A_217 = arith.constant 1 : i32
      %sub3A_218 = arith.subi %div3A_197, %sub3A_217 : i32
      %select_n3A_219 = arith.select %and3A_216, %sub3A_218, %div3A_197 : i32
      %jit3A_220 = arith.constant 128 : i32
      %eq3A_221 = arith.constant 0 : i32
      %eq3A_222 = arith.cmpi eq, %jit3A_220, %eq3A_221 : i32
      %jit3A_223 = arith.constant 1 : i32
      %select_n3A_224 = arith.select %eq3A_222, %jit3A_223, %jit3A_220 : i32
      %rem3A_225 = arith.remsi %add3A_195, %select_n3A_224 : i32
      %ne3A_226 = arith.constant 0 : i32
      %ne3A_227 = arith.cmpi ne, %rem3A_225, %ne3A_226 : i32
      %lt3A_228 = arith.constant 0 : i32
      %lt3A_229 = arith.cmpi slt, %rem3A_225, %lt3A_228 : i32
      %lt3A_230 = arith.constant 0 : i32
      %lt3A_231 = arith.cmpi slt, %select_n3A_224, %lt3A_230 : i32
      %ne3A_232 = arith.xori %lt3A_229, %lt3A_231 : i1
      %and3A_233 = arith.andi %ne3A_232, %ne3A_227 : i1
      %add3A_234 = arith.addi %rem3A_225, %select_n3A_224 : i32
      %select_n3A_235 = arith.select %and3A_233, %add3A_234, %rem3A_225 : i32
      %mul3A_236 = arith.constant 128 : i32
      %mul3A_237 = arith.muli %select_n3A_235, %mul3A_236 : i32
      %dma_start3A_238 = arith.constant 0 : i32
      %dma_start3A_239 = arith.constant 0 : i32
      %dma_start3A_240 = arith.constant 0 : i32
      %dma_start3A_241 = arith.constant 0 : i32
      %dma_start3A_242 = tpu.memref_slice %arg7[%dma_start3A_238, %dma_start3A_240, %dma_start3A_241] : memref<2x64x129xf32, #tpu.memory_space<vmem>> -> memref<1x64x128xf32, #tpu.memory_space<vmem>>
      %dma_start3A_243 = tpu.memref_squeeze %dma_start3A_242 : memref<1x64x128xf32, #tpu.memory_space<vmem>> -> memref<64x128xf32, #tpu.memory_space<vmem>>
      %dma_start3A_244 = arith.constant 0 : i32
      %dma_start3A_245 = tpu.memref_slice %arg4[%select_n3A_219, %dma_start3A_244, %mul3A_237] : memref<26x64x16384xf32, #tpu.memory_space<hbm>> -> memref<1x64x128xf32, #tpu.memory_space<hbm>>
      %dma_start3A_246 = tpu.memref_squeeze %dma_start3A_245 : memref<1x64x128xf32, #tpu.memory_space<hbm>> -> memref<64x128xf32, #tpu.memory_space<hbm>>
      %dma_start3A_247 = tpu.memref_slice %arg9[%dma_start3A_239] : memref<2x!tpu.dma_semaphore, #tpu.memory_space<semaphore_mem>> -> memref<1x!tpu.dma_semaphore, #tpu.memory_space<semaphore_mem>>
      %dma_start3A_248 = tpu.memref_squeeze %dma_start3A_247 : memref<1x!tpu.dma_semaphore, #tpu.memory_space<semaphore_mem>> -> memref<!tpu.dma_semaphore, #tpu.memory_space<semaphore_mem>>
      %dma_start3A_249 = arith.constant 0 : i32
      %dma_start3A_250 = tpu.memref_slice %arg4[%select_n3A_219, %dma_start3A_249, %mul3A_237] : memref<26x64x16384xf32, #tpu.memory_space<hbm>> -> memref<1x64x128xf32, #tpu.memory_space<hbm>>
      %dma_start3A_251 = tpu.memref_squeeze %dma_start3A_250 : memref<1x64x128xf32, #tpu.memory_space<hbm>> -> memref<64x128xf32, #tpu.memory_space<hbm>>
      %dma_start3A_252 = arith.constant 0 : i32
      %dma_start3A_253 = arith.constant 0 : i32
      %dma_start3A_254 = tpu.memref_slice %arg7[%dma_start3A_238, %dma_start3A_252, %dma_start3A_253] : memref<2x64x129xf32, #tpu.memory_space<vmem>> -> memref<1x64x128xf32, #tpu.memory_space<vmem>>
      %dma_start3A_255 = tpu.memref_squeeze %dma_start3A_254 : memref<1x64x128xf32, #tpu.memory_space<vmem>> -> memref<64x128xf32, #tpu.memory_space<vmem>>
      tpu.enqueue_dma source(%dma_start3A_255 : memref<64x128xf32, #tpu.memory_space<vmem>>) target(%dma_start3A_251 : memref<64x128xf32, #tpu.memory_space<hbm>>) target_semaphore(%dma_start3A_248 : memref<!tpu.dma_semaphore, #tpu.memory_space<semaphore_mem>>)
      %add3A_256 = arith.constant 1 : i32
      %add3A_257 = arith.addi %add3A_165, %add3A_256 : i32
      %dma_wait3A_258 = arith.constant 1 : i32
      %dma_wait3A_259 = arith.constant 1 : i32
      %dma_wait3A_260 = arith.constant 0 : i32
      %dma_wait3A_261 = arith.constant 0 : i32
      %dma_wait3A_262 = tpu.memref_slice %arg6[%dma_wait3A_258, %dma_wait3A_260, %dma_wait3A_261] : memref<4x128x64xf32, #tpu.memory_space<vmem>> -> memref<1x128x64xf32, #tpu.memory_space<vmem>>
      %dma_wait3A_263 = tpu.memref_squeeze %dma_wait3A_262 : memref<1x128x64xf32, #tpu.memory_space<vmem>> -> memref<128x64xf32, #tpu.memory_space<vmem>>
      %dma_wait3A_264 = arith.constant 0 : i32
      %dma_wait3A_265 = tpu.memref_slice %arg5[%add3A_257, %dma_wait3A_264] : memref<104x128xi32, #tpu.memory_space<vmem>> -> memref<1x128xi32, #tpu.memory_space<vmem>>
      %dma_wait3A_266 = tpu.memref_squeeze %dma_wait3A_265 : memref<1x128xi32, #tpu.memory_space<vmem>> -> memref<128xi32, #tpu.memory_space<vmem>>
      %dma_wait3A_267 = arith.constant 0 : i32
      %dma_wait3A_268 = arith.constant 0 : i32
      %dma_wait3A_269 = tpu.memref_slice %arg3[%dma_wait3A_267, %dma_wait3A_268] : memref<1000000x64xf32, #tpu.memory_space<hbm>> -> memref<1000000x64xf32, #tpu.memory_space<hbm>>
      %dma_wait3A_270 = tpu.memref_slice %arg8[%dma_wait3A_259] : memref<4x!tpu.dma_semaphore, #tpu.memory_space<semaphore_mem>> -> memref<1x!tpu.dma_semaphore, #tpu.memory_space<semaphore_mem>>
      %dma_wait3A_271 = tpu.memref_squeeze %dma_wait3A_270 : memref<1x!tpu.dma_semaphore, #tpu.memory_space<semaphore_mem>> -> memref<!tpu.dma_semaphore, #tpu.memory_space<semaphore_mem>>
      tpu.wait_indirect_dma semaphore(%dma_wait3A_271 : memref<!tpu.dma_semaphore, #tpu.memory_space<semaphore_mem>>) src(%dma_wait3A_269 : memref<1000000x64xf32, #tpu.memory_space<hbm>>) dst(%dma_wait3A_263 : memref<128x64xf32, #tpu.memory_space<vmem>>)
      %add3A_272 = arith.constant 2 : i32
      %add3A_273 = arith.addi %add3A_257, %add3A_272 : i32
      %lt3A_274 = arith.constant 104 : i32
      %lt3A_275 = arith.cmpi slt, %add3A_273, %lt3A_274 : i32
      %convert_element_type3A_276 = arith.extui %lt3A_275 : i1 to i32
      %cond3A_277 = arith.constant 0 : i32
      %cond3A_278 = arith.cmpi ne, %convert_element_type3A_276, %cond3A_277 : i32
      scf.if %cond3A_278 {
        %add3A_538 = arith.constant 2 : i32
        %add3A_539 = arith.addi %add3A_257, %add3A_538 : i32
        %dma_start3A_540 = arith.constant 3 : i32
        %dma_start3A_541 = arith.constant 3 : i32
        %dma_start3A_542 = arith.constant 0 : i32
        %dma_start3A_543 = arith.constant 0 : i32
        %dma_start3A_544 = tpu.memref_slice %arg6[%dma_start3A_540, %dma_start3A_542, %dma_start3A_543] : memref<4x128x64xf32, #tpu.memory_space<vmem>> -> memref<1x128x64xf32, #tpu.memory_space<vmem>>
        %dma_start3A_545 = tpu.memref_squeeze %dma_start3A_544 : memref<1x128x64xf32, #tpu.memory_space<vmem>> -> memref<128x64xf32, #tpu.memory_space<vmem>>
        %dma_start3A_546 = arith.constant 0 : i32
        %dma_start3A_547 = tpu.memref_slice %arg5[%add3A_539, %dma_start3A_546] : memref<104x128xi32, #tpu.memory_space<vmem>> -> memref<1x128xi32, #tpu.memory_space<vmem>>
        %dma_start3A_548 = tpu.memref_squeeze %dma_start3A_547 : memref<1x128xi32, #tpu.memory_space<vmem>> -> memref<128xi32, #tpu.memory_space<vmem>>
        %dma_start3A_549 = arith.constant 0 : i32
        %dma_start3A_550 = arith.constant 0 : i32
        %dma_start3A_551 = tpu.memref_slice %arg3[%dma_start3A_549, %dma_start3A_550] : memref<1000000x64xf32, #tpu.memory_space<hbm>> -> memref<1000000x64xf32, #tpu.memory_space<hbm>>
        %dma_start3A_552 = tpu.memref_slice %arg8[%dma_start3A_541] : memref<4x!tpu.dma_semaphore, #tpu.memory_space<semaphore_mem>> -> memref<1x!tpu.dma_semaphore, #tpu.memory_space<semaphore_mem>>
        %dma_start3A_553 = tpu.memref_squeeze %dma_start3A_552 : memref<1x!tpu.dma_semaphore, #tpu.memory_space<semaphore_mem>> -> memref<!tpu.dma_semaphore, #tpu.memory_space<semaphore_mem>>
        tpu.enqueue_indirect_dma source(%dma_start3A_551 : memref<1000000x64xf32, #tpu.memory_space<hbm>>) target(%dma_start3A_545 : memref<128x64xf32, #tpu.memory_space<vmem>>) offsets(%dma_start3A_548 : memref<128xi32, #tpu.memory_space<vmem>>) semaphore(%dma_start3A_553 : memref<!tpu.dma_semaphore, #tpu.memory_space<semaphore_mem>>)
      } else {
      }
      %ge3A_279 = arith.constant 2 : i32
      %ge3A_280 = arith.cmpi sge, %add3A_257, %ge3A_279 : i32
      %convert_element_type3A_281 = arith.extui %ge3A_280 : i1 to i32
      %cond3A_282 = arith.constant 0 : i32
      %cond3A_283 = arith.cmpi ne, %convert_element_type3A_281, %cond3A_282 : i32
      scf.if %cond3A_283 {
        %sub3A_538 = arith.constant 2 : i32
        %sub3A_539 = arith.subi %add3A_257, %sub3A_538 : i32
        %add3A_540 = arith.addi %mul3A_2, %sub3A_539 : i32
        %jit3A_541 = arith.constant 128 : i32
        %div3A_542 = arith.divsi %add3A_540, %jit3A_541 : i32
        %sign3A_543 = arith.constant 0 : i32
        %sign3A_544 = arith.cmpi sgt, %add3A_540, %sign3A_543 : i32
        %sign3A_545 = arith.extui %sign3A_544 : i1 to i32
        %sign3A_546 = arith.constant 0 : i32
        %sign3A_547 = arith.cmpi slt, %add3A_540, %sign3A_546 : i32
        %sign3A_548 = arith.extui %sign3A_547 : i1 to i32
        %sign3A_549 = arith.subi %sign3A_545, %sign3A_548 : i32
        %sign3A_550 = arith.constant 0 : i32
        %sign3A_551 = arith.cmpi sgt, %jit3A_541, %sign3A_550 : i32
        %sign3A_552 = arith.extui %sign3A_551 : i1 to i32
        %sign3A_553 = arith.constant 0 : i32
        %sign3A_554 = arith.cmpi slt, %jit3A_541, %sign3A_553 : i32
        %sign3A_555 = arith.extui %sign3A_554 : i1 to i32
        %sign3A_556 = arith.subi %sign3A_552, %sign3A_555 : i32
        %ne3A_557 = arith.cmpi ne, %sign3A_549, %sign3A_556 : i32
        %rem3A_558 = arith.remsi %add3A_540, %jit3A_541 : i32
        %ne3A_559 = arith.constant 0 : i32
        %ne3A_560 = arith.cmpi ne, %rem3A_558, %ne3A_559 : i32
        %and3A_561 = arith.andi %ne3A_557, %ne3A_560 : i1
        %sub3A_562 = arith.constant 1 : i32
        %sub3A_563 = arith.subi %div3A_542, %sub3A_562 : i32
        %select_n3A_564 = arith.select %and3A_561, %sub3A_563, %div3A_542 : i32
        %jit3A_565 = arith.constant 128 : i32
        %eq3A_566 = arith.constant 0 : i32
        %eq3A_567 = arith.cmpi eq, %jit3A_565, %eq3A_566 : i32
        %jit3A_568 = arith.constant 1 : i32
        %select_n3A_569 = arith.select %eq3A_567, %jit3A_568, %jit3A_565 : i32
        %rem3A_570 = arith.remsi %add3A_540, %select_n3A_569 : i32
        %ne3A_571 = arith.constant 0 : i32
        %ne3A_572 = arith.cmpi ne, %rem3A_570, %ne3A_571 : i32
        %lt3A_573 = arith.constant 0 : i32
        %lt3A_574 = arith.cmpi slt, %rem3A_570, %lt3A_573 : i32
        %lt3A_575 = arith.constant 0 : i32
        %lt3A_576 = arith.cmpi slt, %select_n3A_569, %lt3A_575 : i32
        %ne3A_577 = arith.xori %lt3A_574, %lt3A_576 : i1
        %and3A_578 = arith.andi %ne3A_577, %ne3A_572 : i1
        %add3A_579 = arith.addi %rem3A_570, %select_n3A_569 : i32
        %select_n3A_580 = arith.select %and3A_578, %add3A_579, %rem3A_570 : i32
        %mul3A_581 = arith.constant 128 : i32
        %mul3A_582 = arith.muli %select_n3A_580, %mul3A_581 : i32
        %dma_wait3A_583 = arith.constant 1 : i32
        %dma_wait3A_584 = arith.constant 1 : i32
        %dma_wait3A_585 = arith.constant 0 : i32
        %dma_wait3A_586 = arith.constant 0 : i32
        %dma_wait3A_587 = tpu.memref_slice %arg7[%dma_wait3A_583, %dma_wait3A_585, %dma_wait3A_586] : memref<2x64x129xf32, #tpu.memory_space<vmem>> -> memref<1x64x128xf32, #tpu.memory_space<vmem>>
        %dma_wait3A_588 = tpu.memref_squeeze %dma_wait3A_587 : memref<1x64x128xf32, #tpu.memory_space<vmem>> -> memref<64x128xf32, #tpu.memory_space<vmem>>
        %dma_wait3A_589 = arith.constant 0 : i32
        %dma_wait3A_590 = tpu.memref_slice %arg4[%select_n3A_564, %dma_wait3A_589, %mul3A_582] : memref<26x64x16384xf32, #tpu.memory_space<hbm>> -> memref<1x64x128xf32, #tpu.memory_space<hbm>>
        %dma_wait3A_591 = tpu.memref_squeeze %dma_wait3A_590 : memref<1x64x128xf32, #tpu.memory_space<hbm>> -> memref<64x128xf32, #tpu.memory_space<hbm>>
        %dma_wait3A_592 = tpu.memref_slice %arg9[%dma_wait3A_584] : memref<2x!tpu.dma_semaphore, #tpu.memory_space<semaphore_mem>> -> memref<1x!tpu.dma_semaphore, #tpu.memory_space<semaphore_mem>>
        %dma_wait3A_593 = tpu.memref_squeeze %dma_wait3A_592 : memref<1x!tpu.dma_semaphore, #tpu.memory_space<semaphore_mem>> -> memref<!tpu.dma_semaphore, #tpu.memory_space<semaphore_mem>>
        %dma_wait3A_594 = arith.constant 0 : i32
        %dma_wait3A_595 = tpu.memref_slice %arg4[%select_n3A_564, %dma_wait3A_594, %mul3A_582] : memref<26x64x16384xf32, #tpu.memory_space<hbm>> -> memref<1x64x128xf32, #tpu.memory_space<hbm>>
        %dma_wait3A_596 = tpu.memref_squeeze %dma_wait3A_595 : memref<1x64x128xf32, #tpu.memory_space<hbm>> -> memref<64x128xf32, #tpu.memory_space<hbm>>
        %dma_wait3A_597 = arith.constant 0 : i32
        %dma_wait3A_598 = arith.constant 0 : i32
        %dma_wait3A_599 = tpu.memref_slice %arg7[%dma_wait3A_583, %dma_wait3A_597, %dma_wait3A_598] : memref<2x64x129xf32, #tpu.memory_space<vmem>> -> memref<1x64x128xf32, #tpu.memory_space<vmem>>
        %dma_wait3A_600 = tpu.memref_squeeze %dma_wait3A_599 : memref<1x64x128xf32, #tpu.memory_space<vmem>> -> memref<64x128xf32, #tpu.memory_space<vmem>>
        tpu.wait_dma2 semaphore(%dma_wait3A_593 : memref<!tpu.dma_semaphore, #tpu.memory_space<semaphore_mem>>) src(%dma_wait3A_600 : memref<64x128xf32, #tpu.memory_space<vmem>>) dst(%dma_wait3A_596 : memref<64x128xf32, #tpu.memory_space<hbm>>)
      } else {
      }
      %parallel_loop3A_284 = arith.constant 0 : i32
      %parallel_loop3A_285 = arith.constant 128 : i32
      %parallel_loop3A_286 = arith.constant 1 : i32
      %parallel_loop3A_287 = arith.constant 1 : i32
      %parallel_loop3A_288 = arith.constant 1 : i32
      scf.for %parallel_loop3A_538 = %parallel_loop3A_284 to %parallel_loop3A_285 step %parallel_loop3A_286  : i32 {
        %parallel_loop3A_539 = vector.broadcast %parallel_loop3A_538 : i32 to vector<16xi32>
        %parallel_loop3A_540 = arith.constant 0 : i32
        %parallel_loop3A_541 = arith.constant 0 : i32
        %parallel_loop3A_542 = tpu.memref_slice %arg6[%parallel_loop3A_287, %parallel_loop3A_540, %parallel_loop3A_541] : memref<4x128x64xf32, #tpu.memory_space<vmem>> -> memref<1x128x64xf32, #tpu.memory_space<vmem>>
        %parallel_loop3A_543 = tpu.memref_squeeze %parallel_loop3A_542 : memref<1x128x64xf32, #tpu.memory_space<vmem>> -> memref<128x64xf32, #tpu.memory_space<vmem>>
        %parallel_loop3A_544 = arith.index_cast %parallel_loop3A_538 : i32 to index
        %parallel_loop3A_545 = arith.constant 0 : index
        %parallel_loop3A_546 = tpu.vector_load %parallel_loop3A_543[%parallel_loop3A_544, %parallel_loop3A_545] {strides = array<i32>} : memref<128x64xf32, #tpu.memory_space<vmem>>, vector<16xf32>,
        %parallel_loop3A_547 = arith.constant 0 : i32
        %parallel_loop3A_548 = arith.constant 0 : i32
        %parallel_loop3A_549 = tpu.memref_slice %arg7[%parallel_loop3A_288, %parallel_loop3A_547, %parallel_loop3A_548] : memref<2x64x129xf32, #tpu.memory_space<vmem>> -> memref<1x64x129xf32, #tpu.memory_space<vmem>>
        %parallel_loop3A_550 = tpu.memref_squeeze %parallel_loop3A_549 : memref<1x64x129xf32, #tpu.memory_space<vmem>> -> memref<64x129xf32, #tpu.memory_space<vmem>>
        tpu.vector_store_idx %parallel_loop3A_550[%add3A_5, %parallel_loop3A_539], %parallel_loop3A_546 : memref<64x129xf32, #tpu.memory_space<vmem>>[vector<16xi32>, vector<16xi32>], vector<16xf32>,
        %parallel_loop3A_551 = arith.constant 0 : i32
        %parallel_loop3A_552 = arith.constant 0 : i32
        %parallel_loop3A_553 = tpu.memref_slice %arg6[%parallel_loop3A_287, %parallel_loop3A_551, %parallel_loop3A_552] : memref<4x128x64xf32, #tpu.memory_space<vmem>> -> memref<1x128x64xf32, #tpu.memory_space<vmem>>
        %parallel_loop3A_554 = tpu.memref_squeeze %parallel_loop3A_553 : memref<1x128x64xf32, #tpu.memory_space<vmem>> -> memref<128x64xf32, #tpu.memory_space<vmem>>
        %parallel_loop3A_555 = arith.index_cast %parallel_loop3A_538 : i32 to index
        %parallel_loop3A_556 = arith.constant 16 : index
        %parallel_loop3A_557 = tpu.vector_load %parallel_loop3A_554[%parallel_loop3A_555, %parallel_loop3A_556] {strides = array<i32>} : memref<128x64xf32, #tpu.memory_space<vmem>>, vector<16xf32>,
        %parallel_loop3A_558 = arith.constant 0 : i32
        %parallel_loop3A_559 = arith.constant 0 : i32
        %parallel_loop3A_560 = tpu.memref_slice %arg7[%parallel_loop3A_288, %parallel_loop3A_558, %parallel_loop3A_559] : memref<2x64x129xf32, #tpu.memory_space<vmem>> -> memref<1x64x129xf32, #tpu.memory_space<vmem>>
        %parallel_loop3A_561 = tpu.memref_squeeze %parallel_loop3A_560 : memref<1x64x129xf32, #tpu.memory_space<vmem>> -> memref<64x129xf32, #tpu.memory_space<vmem>>
        tpu.vector_store_idx %parallel_loop3A_561[%add3A_8, %parallel_loop3A_539], %parallel_loop3A_557 : memref<64x129xf32, #tpu.memory_space<vmem>>[vector<16xi32>, vector<16xi32>], vector<16xf32>,
        %parallel_loop3A_562 = arith.constant 0 : i32
        %parallel_loop3A_563 = arith.constant 0 : i32
        %parallel_loop3A_564 = tpu.memref_slice %arg6[%parallel_loop3A_287, %parallel_loop3A_562, %parallel_loop3A_563] : memref<4x128x64xf32, #tpu.memory_space<vmem>> -> memref<1x128x64xf32, #tpu.memory_space<vmem>>
        %parallel_loop3A_565 = tpu.memref_squeeze %parallel_loop3A_564 : memref<1x128x64xf32, #tpu.memory_space<vmem>> -> memref<128x64xf32, #tpu.memory_space<vmem>>
        %parallel_loop3A_566 = arith.index_cast %parallel_loop3A_538 : i32 to index
        %parallel_loop3A_567 = arith.constant 32 : index
        %parallel_loop3A_568 = tpu.vector_load %parallel_loop3A_565[%parallel_loop3A_566, %parallel_loop3A_567] {strides = array<i32>} : memref<128x64xf32, #tpu.memory_space<vmem>>, vector<16xf32>,
        %parallel_loop3A_569 = arith.constant 0 : i32
        %parallel_loop3A_570 = arith.constant 0 : i32
        %parallel_loop3A_571 = tpu.memref_slice %arg7[%parallel_loop3A_288, %parallel_loop3A_569, %parallel_loop3A_570] : memref<2x64x129xf32, #tpu.memory_space<vmem>> -> memref<1x64x129xf32, #tpu.memory_space<vmem>>
        %parallel_loop3A_572 = tpu.memref_squeeze %parallel_loop3A_571 : memref<1x64x129xf32, #tpu.memory_space<vmem>> -> memref<64x129xf32, #tpu.memory_space<vmem>>
        tpu.vector_store_idx %parallel_loop3A_572[%add3A_11, %parallel_loop3A_539], %parallel_loop3A_568 : memref<64x129xf32, #tpu.memory_space<vmem>>[vector<16xi32>, vector<16xi32>], vector<16xf32>,
        %parallel_loop3A_573 = arith.constant 0 : i32
        %parallel_loop3A_574 = arith.constant 0 : i32
        %parallel_loop3A_575 = tpu.memref_slice %arg6[%parallel_loop3A_287, %parallel_loop3A_573, %parallel_loop3A_574] : memref<4x128x64xf32, #tpu.memory_space<vmem>> -> memref<1x128x64xf32, #tpu.memory_space<vmem>>
        %parallel_loop3A_576 = tpu.memref_squeeze %parallel_loop3A_575 : memref<1x128x64xf32, #tpu.memory_space<vmem>> -> memref<128x64xf32, #tpu.memory_space<vmem>>
        %parallel_loop3A_577 = arith.index_cast %parallel_loop3A_538 : i32 to index
        %parallel_loop3A_578 = arith.constant 48 : index
        %parallel_loop3A_579 = tpu.vector_load %parallel_loop3A_576[%parallel_loop3A_577, %parallel_loop3A_578] {strides = array<i32>} : memref<128x64xf32, #tpu.memory_space<vmem>>, vector<16xf32>,
        %parallel_loop3A_580 = arith.constant 0 : i32
        %parallel_loop3A_581 = arith.constant 0 : i32
        %parallel_loop3A_582 = tpu.memref_slice %arg7[%parallel_loop3A_288, %parallel_loop3A_580, %parallel_loop3A_581] : memref<2x64x129xf32, #tpu.memory_space<vmem>> -> memref<1x64x129xf32, #tpu.memory_space<vmem>>
        %parallel_loop3A_583 = tpu.memref_squeeze %parallel_loop3A_582 : memref<1x64x129xf32, #tpu.memory_space<vmem>> -> memref<64x129xf32, #tpu.memory_space<vmem>>
        tpu.vector_store_idx %parallel_loop3A_583[%add3A_14, %parallel_loop3A_539], %parallel_loop3A_579 : memref<64x129xf32, #tpu.memory_space<vmem>>[vector<16xi32>, vector<16xi32>], vector<16xf32>,
      } {sc.loop_unroll_factor = 4 : i64, sc.parallel_access}
      %add3A_289 = arith.addi %mul3A_2, %add3A_257 : i32
      %jit3A_290 = arith.constant 128 : i32
      %div3A_291 = arith.divsi %add3A_289, %jit3A_290 : i32
      %sign3A_292 = arith.constant 0 : i32
      %sign3A_293 = arith.cmpi sgt, %add3A_289, %sign3A_292 : i32
      %sign3A_294 = arith.extui %sign3A_293 : i1 to i32
      %sign3A_295 = arith.constant 0 : i32
      %sign3A_296 = arith.cmpi slt, %add3A_289, %sign3A_295 : i32
      %sign3A_297 = arith.extui %sign3A_296 : i1 to i32
      %sign3A_298 = arith.subi %sign3A_294, %sign3A_297 : i32
      %sign3A_299 = arith.constant 0 : i32
      %sign3A_300 = arith.cmpi sgt, %jit3A_290, %sign3A_299 : i32
      %sign3A_301 = arith.extui %sign3A_300 : i1 to i32
      %sign3A_302 = arith.constant 0 : i32
      %sign3A_303 = arith.cmpi slt, %jit3A_290, %sign3A_302 : i32
      %sign3A_304 = arith.extui %sign3A_303 : i1 to i32
      %sign3A_305 = arith.subi %sign3A_301, %sign3A_304 : i32
      %ne3A_306 = arith.cmpi ne, %sign3A_298, %sign3A_305 : i32
      %rem3A_307 = arith.remsi %add3A_289, %jit3A_290 : i32
      %ne3A_308 = arith.constant 0 : i32
      %ne3A_309 = arith.cmpi ne, %rem3A_307, %ne3A_308 : i32
      %and3A_310 = arith.andi %ne3A_306, %ne3A_309 : i1
      %sub3A_311 = arith.constant 1 : i32
      %sub3A_312 = arith.subi %div3A_291, %sub3A_311 : i32
      %select_n3A_313 = arith.select %and3A_310, %sub3A_312, %div3A_291 : i32
      %jit3A_314 = arith.constant 128 : i32
      %eq3A_315 = arith.constant 0 : i32
      %eq3A_316 = arith.cmpi eq, %jit3A_314, %eq3A_315 : i32
      %jit3A_317 = arith.constant 1 : i32
      %select_n3A_318 = arith.select %eq3A_316, %jit3A_317, %jit3A_314 : i32
      %rem3A_319 = arith.remsi %add3A_289, %select_n3A_318 : i32
      %ne3A_320 = arith.constant 0 : i32
      %ne3A_321 = arith.cmpi ne, %rem3A_319, %ne3A_320 : i32
      %lt3A_322 = arith.constant 0 : i32
      %lt3A_323 = arith.cmpi slt, %rem3A_319, %lt3A_322 : i32
      %lt3A_324 = arith.constant 0 : i32
      %lt3A_325 = arith.cmpi slt, %select_n3A_318, %lt3A_324 : i32
      %ne3A_326 = arith.xori %lt3A_323, %lt3A_325 : i1
      %and3A_327 = arith.andi %ne3A_326, %ne3A_321 : i1
      %add3A_328 = arith.addi %rem3A_319, %select_n3A_318 : i32
      %select_n3A_329 = arith.select %and3A_327, %add3A_328, %rem3A_319 : i32
      %mul3A_330 = arith.constant 128 : i32
      %mul3A_331 = arith.muli %select_n3A_329, %mul3A_330 : i32
      %dma_start3A_332 = arith.constant 1 : i32
      %dma_start3A_333 = arith.constant 1 : i32
      %dma_start3A_334 = arith.constant 0 : i32
      %dma_start3A_335 = arith.constant 0 : i32
      %dma_start3A_336 = tpu.memref_slice %arg7[%dma_start3A_332, %dma_start3A_334, %dma_start3A_335] : memref<2x64x129xf32, #tpu.memory_space<vmem>> -> memref<1x64x128xf32, #tpu.memory_space<vmem>>
      %dma_start3A_337 = tpu.memref_squeeze %dma_start3A_336 : memref<1x64x128xf32, #tpu.memory_space<vmem>> -> memref<64x128xf32, #tpu.memory_space<vmem>>
      %dma_start3A_338 = arith.constant 0 : i32
      %dma_start3A_339 = tpu.memref_slice %arg4[%select_n3A_313, %dma_start3A_338, %mul3A_331] : memref<26x64x16384xf32, #tpu.memory_space<hbm>> -> memref<1x64x128xf32, #tpu.memory_space<hbm>>
      %dma_start3A_340 = tpu.memref_squeeze %dma_start3A_339 : memref<1x64x128xf32, #tpu.memory_space<hbm>> -> memref<64x128xf32, #tpu.memory_space<hbm>>
      %dma_start3A_341 = tpu.memref_slice %arg9[%dma_start3A_333] : memref<2x!tpu.dma_semaphore, #tpu.memory_space<semaphore_mem>> -> memref<1x!tpu.dma_semaphore, #tpu.memory_space<semaphore_mem>>
      %dma_start3A_342 = tpu.memref_squeeze %dma_start3A_341 : memref<1x!tpu.dma_semaphore, #tpu.memory_space<semaphore_mem>> -> memref<!tpu.dma_semaphore, #tpu.memory_space<semaphore_mem>>
      %dma_start3A_343 = arith.constant 0 : i32
      %dma_start3A_344 = tpu.memref_slice %arg4[%select_n3A_313, %dma_start3A_343, %mul3A_331] : memref<26x64x16384xf32, #tpu.memory_space<hbm>> -> memref<1x64x128xf32, #tpu.memory_space<hbm>>
      %dma_start3A_345 = tpu.memref_squeeze %dma_start3A_344 : memref<1x64x128xf32, #tpu.memory_space<hbm>> -> memref<64x128xf32, #tpu.memory_space<hbm>>
      %dma_start3A_346 = arith.constant 0 : i32
      %dma_start3A_347 = arith.constant 0 : i32
      %dma_start3A_348 = tpu.memref_slice %arg7[%dma_start3A_332, %dma_start3A_346, %dma_start3A_347] : memref<2x64x129xf32, #tpu.memory_space<vmem>> -> memref<1x64x128xf32, #tpu.memory_space<vmem>>
      %dma_start3A_349 = tpu.memref_squeeze %dma_start3A_348 : memref<1x64x128xf32, #tpu.memory_space<vmem>> -> memref<64x128xf32, #tpu.memory_space<vmem>>
      tpu.enqueue_dma source(%dma_start3A_349 : memref<64x128xf32, #tpu.memory_space<vmem>>) target(%dma_start3A_345 : memref<64x128xf32, #tpu.memory_space<hbm>>) target_semaphore(%dma_start3A_342 : memref<!tpu.dma_semaphore, #tpu.memory_space<semaphore_mem>>)
      %add3A_350 = arith.constant 2 : i32
      %add3A_351 = arith.addi %add3A_165, %add3A_350 : i32
      %dma_wait3A_352 = arith.constant 2 : i32
      %dma_wait3A_353 = arith.constant 2 : i32
      %dma_wait3A_354 = arith.constant 0 : i32
      %dma_wait3A_355 = arith.constant 0 : i32
      %dma_wait3A_356 = tpu.memref_slice %arg6[%dma_wait3A_352, %dma_wait3A_354, %dma_wait3A_355] : memref<4x128x64xf32, #tpu.memory_space<vmem>> -> memref<1x128x64xf32, #tpu.memory_space<vmem>>
      %dma_wait3A_357 = tpu.memref_squeeze %dma_wait3A_356 : memref<1x128x64xf32, #tpu.memory_space<vmem>> -> memref<128x64xf32, #tpu.memory_space<vmem>>
      %dma_wait3A_358 = arith.constant 0 : i32
      %dma_wait3A_359 = tpu.memref_slice %arg5[%add3A_351, %dma_wait3A_358] : memref<104x128xi32, #tpu.memory_space<vmem>> -> memref<1x128xi32, #tpu.memory_space<vmem>>
      %dma_wait3A_360 = tpu.memref_squeeze %dma_wait3A_359 : memref<1x128xi32, #tpu.memory_space<vmem>> -> memref<128xi32, #tpu.memory_space<vmem>>
      %dma_wait3A_361 = arith.constant 0 : i32
      %dma_wait3A_362 = arith.constant 0 : i32
      %dma_wait3A_363 = tpu.memref_slice %arg3[%dma_wait3A_361, %dma_wait3A_362] : memref<1000000x64xf32, #tpu.memory_space<hbm>> -> memref<1000000x64xf32, #tpu.memory_space<hbm>>
      %dma_wait3A_364 = tpu.memref_slice %arg8[%dma_wait3A_353] : memref<4x!tpu.dma_semaphore, #tpu.memory_space<semaphore_mem>> -> memref<1x!tpu.dma_semaphore, #tpu.memory_space<semaphore_mem>>
      %dma_wait3A_365 = tpu.memref_squeeze %dma_wait3A_364 : memref<1x!tpu.dma_semaphore, #tpu.memory_space<semaphore_mem>> -> memref<!tpu.dma_semaphore, #tpu.memory_space<semaphore_mem>>
      tpu.wait_indirect_dma semaphore(%dma_wait3A_365 : memref<!tpu.dma_semaphore, #tpu.memory_space<semaphore_mem>>) src(%dma_wait3A_363 : memref<1000000x64xf32, #tpu.memory_space<hbm>>) dst(%dma_wait3A_357 : memref<128x64xf32, #tpu.memory_space<vmem>>)
      %add3A_366 = arith.constant 2 : i32
      %add3A_367 = arith.addi %add3A_351, %add3A_366 : i32
      %lt3A_368 = arith.constant 104 : i32
      %lt3A_369 = arith.cmpi slt, %add3A_367, %lt3A_368 : i32
      %convert_element_type3A_370 = arith.extui %lt3A_369 : i1 to i32
      %cond3A_371 = arith.constant 0 : i32
      %cond3A_372 = arith.cmpi ne, %convert_element_type3A_370, %cond3A_371 : i32
      scf.if %cond3A_372 {
        %add3A_538 = arith.constant 2 : i32
        %add3A_539 = arith.addi %add3A_351, %add3A_538 : i32
        %dma_start3A_540 = arith.constant 0 : i32
        %dma_start3A_541 = arith.constant 0 : i32
        %dma_start3A_542 = arith.constant 0 : i32
        %dma_start3A_543 = arith.constant 0 : i32
        %dma_start3A_544 = tpu.memref_slice %arg6[%dma_start3A_540, %dma_start3A_542, %dma_start3A_543] : memref<4x128x64xf32, #tpu.memory_space<vmem>> -> memref<1x128x64xf32, #tpu.memory_space<vmem>>
        %dma_start3A_545 = tpu.memref_squeeze %dma_start3A_544 : memref<1x128x64xf32, #tpu.memory_space<vmem>> -> memref<128x64xf32, #tpu.memory_space<vmem>>
        %dma_start3A_546 = arith.constant 0 : i32
        %dma_start3A_547 = tpu.memref_slice %arg5[%add3A_539, %dma_start3A_546] : memref<104x128xi32, #tpu.memory_space<vmem>> -> memref<1x128xi32, #tpu.memory_space<vmem>>
        %dma_start3A_548 = tpu.memref_squeeze %dma_start3A_547 : memref<1x128xi32, #tpu.memory_space<vmem>> -> memref<128xi32, #tpu.memory_space<vmem>>
        %dma_start3A_549 = arith.constant 0 : i32
        %dma_start3A_550 = arith.constant 0 : i32
        %dma_start3A_551 = tpu.memref_slice %arg3[%dma_start3A_549, %dma_start3A_550] : memref<1000000x64xf32, #tpu.memory_space<hbm>> -> memref<1000000x64xf32, #tpu.memory_space<hbm>>
        %dma_start3A_552 = tpu.memref_slice %arg8[%dma_start3A_541] : memref<4x!tpu.dma_semaphore, #tpu.memory_space<semaphore_mem>> -> memref<1x!tpu.dma_semaphore, #tpu.memory_space<semaphore_mem>>
        %dma_start3A_553 = tpu.memref_squeeze %dma_start3A_552 : memref<1x!tpu.dma_semaphore, #tpu.memory_space<semaphore_mem>> -> memref<!tpu.dma_semaphore, #tpu.memory_space<semaphore_mem>>
        tpu.enqueue_indirect_dma source(%dma_start3A_551 : memref<1000000x64xf32, #tpu.memory_space<hbm>>) target(%dma_start3A_545 : memref<128x64xf32, #tpu.memory_space<vmem>>) offsets(%dma_start3A_548 : memref<128xi32, #tpu.memory_space<vmem>>) semaphore(%dma_start3A_553 : memref<!tpu.dma_semaphore, #tpu.memory_space<semaphore_mem>>)
      } else {
      }
      %ge3A_373 = arith.constant 2 : i32
      %ge3A_374 = arith.cmpi sge, %add3A_351, %ge3A_373 : i32
      %convert_element_type3A_375 = arith.extui %ge3A_374 : i1 to i32
      %cond3A_376 = arith.constant 0 : i32
      %cond3A_377 = arith.cmpi ne, %convert_element_type3A_375, %cond3A_376 : i32
      scf.if %cond3A_377 {
        %sub3A_538 = arith.constant 2 : i32
        %sub3A_539 = arith.subi %add3A_351, %sub3A_538 : i32
        %add3A_540 = arith.addi %mul3A_2, %sub3A_539 : i32
        %jit3A_541 = arith.constant 128 : i32
        %div3A_542 = arith.divsi %add3A_540, %jit3A_541 : i32
        %sign3A_543 = arith.constant 0 : i32
        %sign3A_544 = arith.cmpi sgt, %add3A_540, %sign3A_543 : i32
        %sign3A_545 = arith.extui %sign3A_544 : i1 to i32
        %sign3A_546 = arith.constant 0 : i32
        %sign3A_547 = arith.cmpi slt, %add3A_540, %sign3A_546 : i32
        %sign3A_548 = arith.extui %sign3A_547 : i1 to i32
        %sign3A_549 = arith.subi %sign3A_545, %sign3A_548 : i32
        %sign3A_550 = arith.constant 0 : i32
        %sign3A_551 = arith.cmpi sgt, %jit3A_541, %sign3A_550 : i32
        %sign3A_552 = arith.extui %sign3A_551 : i1 to i32
        %sign3A_553 = arith.constant 0 : i32
        %sign3A_554 = arith.cmpi slt, %jit3A_541, %sign3A_553 : i32
        %sign3A_555 = arith.extui %sign3A_554 : i1 to i32
        %sign3A_556 = arith.subi %sign3A_552, %sign3A_555 : i32
        %ne3A_557 = arith.cmpi ne, %sign3A_549, %sign3A_556 : i32
        %rem3A_558 = arith.remsi %add3A_540, %jit3A_541 : i32
        %ne3A_559 = arith.constant 0 : i32
        %ne3A_560 = arith.cmpi ne, %rem3A_558, %ne3A_559 : i32
        %and3A_561 = arith.andi %ne3A_557, %ne3A_560 : i1
        %sub3A_562 = arith.constant 1 : i32
        %sub3A_563 = arith.subi %div3A_542, %sub3A_562 : i32
        %select_n3A_564 = arith.select %and3A_561, %sub3A_563, %div3A_542 : i32
        %jit3A_565 = arith.constant 128 : i32
        %eq3A_566 = arith.constant 0 : i32
        %eq3A_567 = arith.cmpi eq, %jit3A_565, %eq3A_566 : i32
        %jit3A_568 = arith.constant 1 : i32
        %select_n3A_569 = arith.select %eq3A_567, %jit3A_568, %jit3A_565 : i32
        %rem3A_570 = arith.remsi %add3A_540, %select_n3A_569 : i32
        %ne3A_571 = arith.constant 0 : i32
        %ne3A_572 = arith.cmpi ne, %rem3A_570, %ne3A_571 : i32
        %lt3A_573 = arith.constant 0 : i32
        %lt3A_574 = arith.cmpi slt, %rem3A_570, %lt3A_573 : i32
        %lt3A_575 = arith.constant 0 : i32
        %lt3A_576 = arith.cmpi slt, %select_n3A_569, %lt3A_575 : i32
        %ne3A_577 = arith.xori %lt3A_574, %lt3A_576 : i1
        %and3A_578 = arith.andi %ne3A_577, %ne3A_572 : i1
        %add3A_579 = arith.addi %rem3A_570, %select_n3A_569 : i32
        %select_n3A_580 = arith.select %and3A_578, %add3A_579, %rem3A_570 : i32
        %mul3A_581 = arith.constant 128 : i32
        %mul3A_582 = arith.muli %select_n3A_580, %mul3A_581 : i32
        %dma_wait3A_583 = arith.constant 0 : i32
        %dma_wait3A_584 = arith.constant 0 : i32
        %dma_wait3A_585 = arith.constant 0 : i32
        %dma_wait3A_586 = arith.constant 0 : i32
        %dma_wait3A_587 = tpu.memref_slice %arg7[%dma_wait3A_583, %dma_wait3A_585, %dma_wait3A_586] : memref<2x64x129xf32, #tpu.memory_space<vmem>> -> memref<1x64x128xf32, #tpu.memory_space<vmem>>
        %dma_wait3A_588 = tpu.memref_squeeze %dma_wait3A_587 : memref<1x64x128xf32, #tpu.memory_space<vmem>> -> memref<64x128xf32, #tpu.memory_space<vmem>>
        %dma_wait3A_589 = arith.constant 0 : i32
        %dma_wait3A_590 = tpu.memref_slice %arg4[%select_n3A_564, %dma_wait3A_589, %mul3A_582] : memref<26x64x16384xf32, #tpu.memory_space<hbm>> -> memref<1x64x128xf32, #tpu.memory_space<hbm>>
        %dma_wait3A_591 = tpu.memref_squeeze %dma_wait3A_590 : memref<1x64x128xf32, #tpu.memory_space<hbm>> -> memref<64x128xf32, #tpu.memory_space<hbm>>
        %dma_wait3A_592 = tpu.memref_slice %arg9[%dma_wait3A_584] : memref<2x!tpu.dma_semaphore, #tpu.memory_space<semaphore_mem>> -> memref<1x!tpu.dma_semaphore, #tpu.memory_space<semaphore_mem>>
        %dma_wait3A_593 = tpu.memref_squeeze %dma_wait3A_592 : memref<1x!tpu.dma_semaphore, #tpu.memory_space<semaphore_mem>> -> memref<!tpu.dma_semaphore, #tpu.memory_space<semaphore_mem>>
        %dma_wait3A_594 = arith.constant 0 : i32
        %dma_wait3A_595 = tpu.memref_slice %arg4[%select_n3A_564, %dma_wait3A_594, %mul3A_582] : memref<26x64x16384xf32, #tpu.memory_space<hbm>> -> memref<1x64x128xf32, #tpu.memory_space<hbm>>
        %dma_wait3A_596 = tpu.memref_squeeze %dma_wait3A_595 : memref<1x64x128xf32, #tpu.memory_space<hbm>> -> memref<64x128xf32, #tpu.memory_space<hbm>>
        %dma_wait3A_597 = arith.constant 0 : i32
        %dma_wait3A_598 = arith.constant 0 : i32
        %dma_wait3A_599 = tpu.memref_slice %arg7[%dma_wait3A_583, %dma_wait3A_597, %dma_wait3A_598] : memref<2x64x129xf32, #tpu.memory_space<vmem>> -> memref<1x64x128xf32, #tpu.memory_space<vmem>>
        %dma_wait3A_600 = tpu.memref_squeeze %dma_wait3A_599 : memref<1x64x128xf32, #tpu.memory_space<vmem>> -> memref<64x128xf32, #tpu.memory_space<vmem>>
        tpu.wait_dma2 semaphore(%dma_wait3A_593 : memref<!tpu.dma_semaphore, #tpu.memory_space<semaphore_mem>>) src(%dma_wait3A_600 : memref<64x128xf32, #tpu.memory_space<vmem>>) dst(%dma_wait3A_596 : memref<64x128xf32, #tpu.memory_space<hbm>>)
      } else {
      }
      %parallel_loop3A_378 = arith.constant 0 : i32
      %parallel_loop3A_379 = arith.constant 128 : i32
      %parallel_loop3A_380 = arith.constant 1 : i32
      %parallel_loop3A_381 = arith.constant 2 : i32
      %parallel_loop3A_382 = arith.constant 0 : i32
      scf.for %parallel_loop3A_538 = %parallel_loop3A_378 to %parallel_loop3A_379 step %parallel_loop3A_380  : i32 {
        %parallel_loop3A_539 = vector.broadcast %parallel_loop3A_538 : i32 to vector<16xi32>
        %parallel_loop3A_540 = arith.constant 0 : i32
        %parallel_loop3A_541 = arith.constant 0 : i32
        %parallel_loop3A_542 = tpu.memref_slice %arg6[%parallel_loop3A_381, %parallel_loop3A_540, %parallel_loop3A_541] : memref<4x128x64xf32, #tpu.memory_space<vmem>> -> memref<1x128x64xf32, #tpu.memory_space<vmem>>
        %parallel_loop3A_543 = tpu.memref_squeeze %parallel_loop3A_542 : memref<1x128x64xf32, #tpu.memory_space<vmem>> -> memref<128x64xf32, #tpu.memory_space<vmem>>
        %parallel_loop3A_544 = arith.index_cast %parallel_loop3A_538 : i32 to index
        %parallel_loop3A_545 = arith.constant 0 : index
        %parallel_loop3A_546 = tpu.vector_load %parallel_loop3A_543[%parallel_loop3A_544, %parallel_loop3A_545] {strides = array<i32>} : memref<128x64xf32, #tpu.memory_space<vmem>>, vector<16xf32>,
        %parallel_loop3A_547 = arith.constant 0 : i32
        %parallel_loop3A_548 = arith.constant 0 : i32
        %parallel_loop3A_549 = tpu.memref_slice %arg7[%parallel_loop3A_382, %parallel_loop3A_547, %parallel_loop3A_548] : memref<2x64x129xf32, #tpu.memory_space<vmem>> -> memref<1x64x129xf32, #tpu.memory_space<vmem>>
        %parallel_loop3A_550 = tpu.memref_squeeze %parallel_loop3A_549 : memref<1x64x129xf32, #tpu.memory_space<vmem>> -> memref<64x129xf32, #tpu.memory_space<vmem>>
        tpu.vector_store_idx %parallel_loop3A_550[%add3A_5, %parallel_loop3A_539], %parallel_loop3A_546 : memref<64x129xf32, #tpu.memory_space<vmem>>[vector<16xi32>, vector<16xi32>], vector<16xf32>,
        %parallel_loop3A_551 = arith.constant 0 : i32
        %parallel_loop3A_552 = arith.constant 0 : i32
        %parallel_loop3A_553 = tpu.memref_slice %arg6[%parallel_loop3A_381, %parallel_loop3A_551, %parallel_loop3A_552] : memref<4x128x64xf32, #tpu.memory_space<vmem>> -> memref<1x128x64xf32, #tpu.memory_space<vmem>>
        %parallel_loop3A_554 = tpu.memref_squeeze %parallel_loop3A_553 : memref<1x128x64xf32, #tpu.memory_space<vmem>> -> memref<128x64xf32, #tpu.memory_space<vmem>>
        %parallel_loop3A_555 = arith.index_cast %parallel_loop3A_538 : i32 to index
        %parallel_loop3A_556 = arith.constant 16 : index
        %parallel_loop3A_557 = tpu.vector_load %parallel_loop3A_554[%parallel_loop3A_555, %parallel_loop3A_556] {strides = array<i32>} : memref<128x64xf32, #tpu.memory_space<vmem>>, vector<16xf32>,
        %parallel_loop3A_558 = arith.constant 0 : i32
        %parallel_loop3A_559 = arith.constant 0 : i32
        %parallel_loop3A_560 = tpu.memref_slice %arg7[%parallel_loop3A_382, %parallel_loop3A_558, %parallel_loop3A_559] : memref<2x64x129xf32, #tpu.memory_space<vmem>> -> memref<1x64x129xf32, #tpu.memory_space<vmem>>
        %parallel_loop3A_561 = tpu.memref_squeeze %parallel_loop3A_560 : memref<1x64x129xf32, #tpu.memory_space<vmem>> -> memref<64x129xf32, #tpu.memory_space<vmem>>
        tpu.vector_store_idx %parallel_loop3A_561[%add3A_8, %parallel_loop3A_539], %parallel_loop3A_557 : memref<64x129xf32, #tpu.memory_space<vmem>>[vector<16xi32>, vector<16xi32>], vector<16xf32>,
        %parallel_loop3A_562 = arith.constant 0 : i32
        %parallel_loop3A_563 = arith.constant 0 : i32
        %parallel_loop3A_564 = tpu.memref_slice %arg6[%parallel_loop3A_381, %parallel_loop3A_562, %parallel_loop3A_563] : memref<4x128x64xf32, #tpu.memory_space<vmem>> -> memref<1x128x64xf32, #tpu.memory_space<vmem>>
        %parallel_loop3A_565 = tpu.memref_squeeze %parallel_loop3A_564 : memref<1x128x64xf32, #tpu.memory_space<vmem>> -> memref<128x64xf32, #tpu.memory_space<vmem>>
        %parallel_loop3A_566 = arith.index_cast %parallel_loop3A_538 : i32 to index
        %parallel_loop3A_567 = arith.constant 32 : index
        %parallel_loop3A_568 = tpu.vector_load %parallel_loop3A_565[%parallel_loop3A_566, %parallel_loop3A_567] {strides = array<i32>} : memref<128x64xf32, #tpu.memory_space<vmem>>, vector<16xf32>,
        %parallel_loop3A_569 = arith.constant 0 : i32
        %parallel_loop3A_570 = arith.constant 0 : i32
        %parallel_loop3A_571 = tpu.memref_slice %arg7[%parallel_loop3A_382, %parallel_loop3A_569, %parallel_loop3A_570] : memref<2x64x129xf32, #tpu.memory_space<vmem>> -> memref<1x64x129xf32, #tpu.memory_space<vmem>>
        %parallel_loop3A_572 = tpu.memref_squeeze %parallel_loop3A_571 : memref<1x64x129xf32, #tpu.memory_space<vmem>> -> memref<64x129xf32, #tpu.memory_space<vmem>>
        tpu.vector_store_idx %parallel_loop3A_572[%add3A_11, %parallel_loop3A_539], %parallel_loop3A_568 : memref<64x129xf32, #tpu.memory_space<vmem>>[vector<16xi32>, vector<16xi32>], vector<16xf32>,
        %parallel_loop3A_573 = arith.constant 0 : i32
        %parallel_loop3A_574 = arith.constant 0 : i32
        %parallel_loop3A_575 = tpu.memref_slice %arg6[%parallel_loop3A_381, %parallel_loop3A_573, %parallel_loop3A_574] : memref<4x128x64xf32, #tpu.memory_space<vmem>> -> memref<1x128x64xf32, #tpu.memory_space<vmem>>
        %parallel_loop3A_576 = tpu.memref_squeeze %parallel_loop3A_575 : memref<1x128x64xf32, #tpu.memory_space<vmem>> -> memref<128x64xf32, #tpu.memory_space<vmem>>
        %parallel_loop3A_577 = arith.index_cast %parallel_loop3A_538 : i32 to index
        %parallel_loop3A_578 = arith.constant 48 : index
        %parallel_loop3A_579 = tpu.vector_load %parallel_loop3A_576[%parallel_loop3A_577, %parallel_loop3A_578] {strides = array<i32>} : memref<128x64xf32, #tpu.memory_space<vmem>>, vector<16xf32>,
        %parallel_loop3A_580 = arith.constant 0 : i32
        %parallel_loop3A_581 = arith.constant 0 : i32
        %parallel_loop3A_582 = tpu.memref_slice %arg7[%parallel_loop3A_382, %parallel_loop3A_580, %parallel_loop3A_581] : memref<2x64x129xf32, #tpu.memory_space<vmem>> -> memref<1x64x129xf32, #tpu.memory_space<vmem>>
        %parallel_loop3A_583 = tpu.memref_squeeze %parallel_loop3A_582 : memref<1x64x129xf32, #tpu.memory_space<vmem>> -> memref<64x129xf32, #tpu.memory_space<vmem>>
        tpu.vector_store_idx %parallel_loop3A_583[%add3A_14, %parallel_loop3A_539], %parallel_loop3A_579 : memref<64x129xf32, #tpu.memory_space<vmem>>[vector<16xi32>, vector<16xi32>], vector<16xf32>,
      } {sc.loop_unroll_factor = 4 : i64, sc.parallel_access}
      %add3A_383 = arith.addi %mul3A_2, %add3A_351 : i32
      %jit3A_384 = arith.constant 128 : i32
      %div3A_385 = arith.divsi %add3A_383, %jit3A_384 : i32
      %sign3A_386 = arith.constant 0 : i32
      %sign3A_387 = arith.cmpi sgt, %add3A_383, %sign3A_386 : i32
      %sign3A_388 = arith.extui %sign3A_387 : i1 to i32
      %sign3A_389 = arith.constant 0 : i32
      %sign3A_390 = arith.cmpi slt, %add3A_383, %sign3A_389 : i32
      %sign3A_391 = arith.extui %sign3A_390 : i1 to i32
      %sign3A_392 = arith.subi %sign3A_388, %sign3A_391 : i32
      %sign3A_393 = arith.constant 0 : i32
      %sign3A_394 = arith.cmpi sgt, %jit3A_384, %sign3A_393 : i32
      %sign3A_395 = arith.extui %sign3A_394 : i1 to i32
      %sign3A_396 = arith.constant 0 : i32
      %sign3A_397 = arith.cmpi slt, %jit3A_384, %sign3A_396 : i32
      %sign3A_398 = arith.extui %sign3A_397 : i1 to i32
      %sign3A_399 = arith.subi %sign3A_395, %sign3A_398 : i32
      %ne3A_400 = arith.cmpi ne, %sign3A_392, %sign3A_399 : i32
      %rem3A_401 = arith.remsi %add3A_383, %jit3A_384 : i32
      %ne3A_402 = arith.constant 0 : i32
      %ne3A_403 = arith.cmpi ne, %rem3A_401, %ne3A_402 : i32
      %and3A_404 = arith.andi %ne3A_400, %ne3A_403 : i1
      %sub3A_405 = arith.constant 1 : i32
      %sub3A_406 = arith.subi %div3A_385, %sub3A_405 : i32
      %select_n3A_407 = arith.select %and3A_404, %sub3A_406, %div3A_385 : i32
      %jit3A_408 = arith.constant 128 : i32
      %eq3A_409 = arith.constant 0 : i32
      %eq3A_410 = arith.cmpi eq, %jit3A_408, %eq3A_409 : i32
      %jit3A_411 = arith.constant 1 : i32
      %select_n3A_412 = arith.select %eq3A_410, %jit3A_411, %jit3A_408 : i32
      %rem3A_413 = arith.remsi %add3A_383, %select_n3A_412 : i32
      %ne3A_414 = arith.constant 0 : i32
      %ne3A_415 = arith.cmpi ne, %rem3A_413, %ne3A_414 : i32
      %lt3A_416 = arith.constant 0 : i32
      %lt3A_417 = arith.cmpi slt, %rem3A_413, %lt3A_416 : i32
      %lt3A_418 = arith.constant 0 : i32
      %lt3A_419 = arith.cmpi slt, %select_n3A_412, %lt3A_418 : i32
      %ne3A_420 = arith.xori %lt3A_417, %lt3A_419 : i1
      %and3A_421 = arith.andi %ne3A_420, %ne3A_415 : i1
      %add3A_422 = arith.addi %rem3A_413, %select_n3A_412 : i32
      %select_n3A_423 = arith.select %and3A_421, %add3A_422, %rem3A_413 : i32
      %mul3A_424 = arith.constant 128 : i32
      %mul3A_425 = arith.muli %select_n3A_423, %mul3A_424 : i32
      %dma_start3A_426 = arith.constant 0 : i32
      %dma_start3A_427 = arith.constant 0 : i32
      %dma_start3A_428 = arith.constant 0 : i32
      %dma_start3A_429 = arith.constant 0 : i32
      %dma_start3A_430 = tpu.memref_slice %arg7[%dma_start3A_426, %dma_start3A_428, %dma_start3A_429] : memref<2x64x129xf32, #tpu.memory_space<vmem>> -> memref<1x64x128xf32, #tpu.memory_space<vmem>>
      %dma_start3A_431 = tpu.memref_squeeze %dma_start3A_430 : memref<1x64x128xf32, #tpu.memory_space<vmem>> -> memref<64x128xf32, #tpu.memory_space<vmem>>
      %dma_start3A_432 = arith.constant 0 : i32
      %dma_start3A_433 = tpu.memref_slice %arg4[%select_n3A_407, %dma_start3A_432, %mul3A_425] : memref<26x64x16384xf32, #tpu.memory_space<hbm>> -> memref<1x64x128xf32, #tpu.memory_space<hbm>>
      %dma_start3A_434 = tpu.memref_squeeze %dma_start3A_433 : memref<1x64x128xf32, #tpu.memory_space<hbm>> -> memref<64x128xf32, #tpu.memory_space<hbm>>
      %dma_start3A_435 = tpu.memref_slice %arg9[%dma_start3A_427] : memref<2x!tpu.dma_semaphore, #tpu.memory_space<semaphore_mem>> -> memref<1x!tpu.dma_semaphore, #tpu.memory_space<semaphore_mem>>
      %dma_start3A_436 = tpu.memref_squeeze %dma_start3A_435 : memref<1x!tpu.dma_semaphore, #tpu.memory_space<semaphore_mem>> -> memref<!tpu.dma_semaphore, #tpu.memory_space<semaphore_mem>>
      %dma_start3A_437 = arith.constant 0 : i32
      %dma_start3A_438 = tpu.memref_slice %arg4[%select_n3A_407, %dma_start3A_437, %mul3A_425] : memref<26x64x16384xf32, #tpu.memory_space<hbm>> -> memref<1x64x128xf32, #tpu.memory_space<hbm>>
      %dma_start3A_439 = tpu.memref_squeeze %dma_start3A_438 : memref<1x64x128xf32, #tpu.memory_space<hbm>> -> memref<64x128xf32, #tpu.memory_space<hbm>>
      %dma_start3A_440 = arith.constant 0 : i32
      %dma_start3A_441 = arith.constant 0 : i32
      %dma_start3A_442 = tpu.memref_slice %arg7[%dma_start3A_426, %dma_start3A_440, %dma_start3A_441] : memref<2x64x129xf32, #tpu.memory_space<vmem>> -> memref<1x64x128xf32, #tpu.memory_space<vmem>>
      %dma_start3A_443 = tpu.memref_squeeze %dma_start3A_442 : memref<1x64x128xf32, #tpu.memory_space<vmem>> -> memref<64x128xf32, #tpu.memory_space<vmem>>
      tpu.enqueue_dma source(%dma_start3A_443 : memref<64x128xf32, #tpu.memory_space<vmem>>) target(%dma_start3A_439 : memref<64x128xf32, #tpu.memory_space<hbm>>) target_semaphore(%dma_start3A_436 : memref<!tpu.dma_semaphore, #tpu.memory_space<semaphore_mem>>)
      %add3A_444 = arith.constant 3 : i32
      %add3A_445 = arith.addi %add3A_165, %add3A_444 : i32
      %dma_wait3A_446 = arith.constant 3 : i32
      %dma_wait3A_447 = arith.constant 3 : i32
      %dma_wait3A_448 = arith.constant 0 : i32
      %dma_wait3A_449 = arith.constant 0 : i32
      %dma_wait3A_450 = tpu.memref_slice %arg6[%dma_wait3A_446, %dma_wait3A_448, %dma_wait3A_449] : memref<4x128x64xf32, #tpu.memory_space<vmem>> -> memref<1x128x64xf32, #tpu.memory_space<vmem>>
      %dma_wait3A_451 = tpu.memref_squeeze %dma_wait3A_450 : memref<1x128x64xf32, #tpu.memory_space<vmem>> -> memref<128x64xf32, #tpu.memory_space<vmem>>
      %dma_wait3A_452 = arith.constant 0 : i32
      %dma_wait3A_453 = tpu.memref_slice %arg5[%add3A_445, %dma_wait3A_452] : memref<104x128xi32, #tpu.memory_space<vmem>> -> memref<1x128xi32, #tpu.memory_space<vmem>>
      %dma_wait3A_454 = tpu.memref_squeeze %dma_wait3A_453 : memref<1x128xi32, #tpu.memory_space<vmem>> -> memref<128xi32, #tpu.memory_space<vmem>>
      %dma_wait3A_455 = arith.constant 0 : i32
      %dma_wait3A_456 = arith.constant 0 : i32
      %dma_wait3A_457 = tpu.memref_slice %arg3[%dma_wait3A_455, %dma_wait3A_456] : memref<1000000x64xf32, #tpu.memory_space<hbm>> -> memref<1000000x64xf32, #tpu.memory_space<hbm>>
      %dma_wait3A_458 = tpu.memref_slice %arg8[%dma_wait3A_447] : memref<4x!tpu.dma_semaphore, #tpu.memory_space<semaphore_mem>> -> memref<1x!tpu.dma_semaphore, #tpu.memory_space<semaphore_mem>>
      %dma_wait3A_459 = tpu.memref_squeeze %dma_wait3A_458 : memref<1x!tpu.dma_semaphore, #tpu.memory_space<semaphore_mem>> -> memref<!tpu.dma_semaphore, #tpu.memory_space<semaphore_mem>>
      tpu.wait_indirect_dma semaphore(%dma_wait3A_459 : memref<!tpu.dma_semaphore, #tpu.memory_space<semaphore_mem>>) src(%dma_wait3A_457 : memref<1000000x64xf32, #tpu.memory_space<hbm>>) dst(%dma_wait3A_451 : memref<128x64xf32, #tpu.memory_space<vmem>>)
      %add3A_460 = arith.constant 2 : i32
      %add3A_461 = arith.addi %add3A_445, %add3A_460 : i32
      %lt3A_462 = arith.constant 104 : i32
      %lt3A_463 = arith.cmpi slt, %add3A_461, %lt3A_462 : i32
      %convert_element_type3A_464 = arith.extui %lt3A_463 : i1 to i32
      %cond3A_465 = arith.constant 0 : i32
      %cond3A_466 = arith.cmpi ne, %convert_element_type3A_464, %cond3A_465 : i32
      scf.if %cond3A_466 {
        %add3A_538 = arith.constant 2 : i32
        %add3A_539 = arith.addi %add3A_445, %add3A_538 : i32
        %dma_start3A_540 = arith.constant 1 : i32
        %dma_start3A_541 = arith.constant 1 : i32
        %dma_start3A_542 = arith.constant 0 : i32
        %dma_start3A_543 = arith.constant 0 : i32
        %dma_start3A_544 = tpu.memref_slice %arg6[%dma_start3A_540, %dma_start3A_542, %dma_start3A_543] : memref<4x128x64xf32, #tpu.memory_space<vmem>> -> memref<1x128x64xf32, #tpu.memory_space<vmem>>
        %dma_start3A_545 = tpu.memref_squeeze %dma_start3A_544 : memref<1x128x64xf32, #tpu.memory_space<vmem>> -> memref<128x64xf32, #tpu.memory_space<vmem>>
        %dma_start3A_546 = arith.constant 0 : i32
        %dma_start3A_547 = tpu.memref_slice %arg5[%add3A_539, %dma_start3A_546] : memref<104x128xi32, #tpu.memory_space<vmem>> -> memref<1x128xi32, #tpu.memory_space<vmem>>
        %dma_start3A_548 = tpu.memref_squeeze %dma_start3A_547 : memref<1x128xi32, #tpu.memory_space<vmem>> -> memref<128xi32, #tpu.memory_space<vmem>>
        %dma_start3A_549 = arith.constant 0 : i32
        %dma_start3A_550 = arith.constant 0 : i32
        %dma_start3A_551 = tpu.memref_slice %arg3[%dma_start3A_549, %dma_start3A_550] : memref<1000000x64xf32, #tpu.memory_space<hbm>> -> memref<1000000x64xf32, #tpu.memory_space<hbm>>
        %dma_start3A_552 = tpu.memref_slice %arg8[%dma_start3A_541] : memref<4x!tpu.dma_semaphore, #tpu.memory_space<semaphore_mem>> -> memref<1x!tpu.dma_semaphore, #tpu.memory_space<semaphore_mem>>
        %dma_start3A_553 = tpu.memref_squeeze %dma_start3A_552 : memref<1x!tpu.dma_semaphore, #tpu.memory_space<semaphore_mem>> -> memref<!tpu.dma_semaphore, #tpu.memory_space<semaphore_mem>>
        tpu.enqueue_indirect_dma source(%dma_start3A_551 : memref<1000000x64xf32, #tpu.memory_space<hbm>>) target(%dma_start3A_545 : memref<128x64xf32, #tpu.memory_space<vmem>>) offsets(%dma_start3A_548 : memref<128xi32, #tpu.memory_space<vmem>>) semaphore(%dma_start3A_553 : memref<!tpu.dma_semaphore, #tpu.memory_space<semaphore_mem>>)
      } else {
      }
      %ge3A_467 = arith.constant 2 : i32
      %ge3A_468 = arith.cmpi sge, %add3A_445, %ge3A_467 : i32
      %convert_element_type3A_469 = arith.extui %ge3A_468 : i1 to i32
      %cond3A_470 = arith.constant 0 : i32
      %cond3A_471 = arith.cmpi ne, %convert_element_type3A_469, %cond3A_470 : i32
      scf.if %cond3A_471 {
        %sub3A_538 = arith.constant 2 : i32
        %sub3A_539 = arith.subi %add3A_445, %sub3A_538 : i32
        %add3A_540 = arith.addi %mul3A_2, %sub3A_539 : i32
        %jit3A_541 = arith.constant 128 : i32
        %div3A_542 = arith.divsi %add3A_540, %jit3A_541 : i32
        %sign3A_543 = arith.constant 0 : i32
        %sign3A_544 = arith.cmpi sgt, %add3A_540, %sign3A_543 : i32
        %sign3A_545 = arith.extui %sign3A_544 : i1 to i32
        %sign3A_546 = arith.constant 0 : i32
        %sign3A_547 = arith.cmpi slt, %add3A_540, %sign3A_546 : i32
        %sign3A_548 = arith.extui %sign3A_547 : i1 to i32
        %sign3A_549 = arith.subi %sign3A_545, %sign3A_548 : i32
        %sign3A_550 = arith.constant 0 : i32
        %sign3A_551 = arith.cmpi sgt, %jit3A_541, %sign3A_550 : i32
        %sign3A_552 = arith.extui %sign3A_551 : i1 to i32
        %sign3A_553 = arith.constant 0 : i32
        %sign3A_554 = arith.cmpi slt, %jit3A_541, %sign3A_553 : i32
        %sign3A_555 = arith.extui %sign3A_554 : i1 to i32
        %sign3A_556 = arith.subi %sign3A_552, %sign3A_555 : i32
        %ne3A_557 = arith.cmpi ne, %sign3A_549, %sign3A_556 : i32
        %rem3A_558 = arith.remsi %add3A_540, %jit3A_541 : i32
        %ne3A_559 = arith.constant 0 : i32
        %ne3A_560 = arith.cmpi ne, %rem3A_558, %ne3A_559 : i32
        %and3A_561 = arith.andi %ne3A_557, %ne3A_560 : i1
        %sub3A_562 = arith.constant 1 : i32
        %sub3A_563 = arith.subi %div3A_542, %sub3A_562 : i32
        %select_n3A_564 = arith.select %and3A_561, %sub3A_563, %div3A_542 : i32
        %jit3A_565 = arith.constant 128 : i32
        %eq3A_566 = arith.constant 0 : i32
        %eq3A_567 = arith.cmpi eq, %jit3A_565, %eq3A_566 : i32
        %jit3A_568 = arith.constant 1 : i32
        %select_n3A_569 = arith.select %eq3A_567, %jit3A_568, %jit3A_565 : i32
        %rem3A_570 = arith.remsi %add3A_540, %select_n3A_569 : i32
        %ne3A_571 = arith.constant 0 : i32
        %ne3A_572 = arith.cmpi ne, %rem3A_570, %ne3A_571 : i32
        %lt3A_573 = arith.constant 0 : i32
        %lt3A_574 = arith.cmpi slt, %rem3A_570, %lt3A_573 : i32
        %lt3A_575 = arith.constant 0 : i32
        %lt3A_576 = arith.cmpi slt, %select_n3A_569, %lt3A_575 : i32
        %ne3A_577 = arith.xori %lt3A_574, %lt3A_576 : i1
        %and3A_578 = arith.andi %ne3A_577, %ne3A_572 : i1
        %add3A_579 = arith.addi %rem3A_570, %select_n3A_569 : i32
        %select_n3A_580 = arith.select %and3A_578, %add3A_579, %rem3A_570 : i32
        %mul3A_581 = arith.constant 128 : i32
        %mul3A_582 = arith.muli %select_n3A_580, %mul3A_581 : i32
        %dma_wait3A_583 = arith.constant 1 : i32
        %dma_wait3A_584 = arith.constant 1 : i32
        %dma_wait3A_585 = arith.constant 0 : i32
        %dma_wait3A_586 = arith.constant 0 : i32
        %dma_wait3A_587 = tpu.memref_slice %arg7[%dma_wait3A_583, %dma_wait3A_585, %dma_wait3A_586] : memref<2x64x129xf32, #tpu.memory_space<vmem>> -> memref<1x64x128xf32, #tpu.memory_space<vmem>>
        %dma_wait3A_588 = tpu.memref_squeeze %dma_wait3A_587 : memref<1x64x128xf32, #tpu.memory_space<vmem>> -> memref<64x128xf32, #tpu.memory_space<vmem>>
        %dma_wait3A_589 = arith.constant 0 : i32
        %dma_wait3A_590 = tpu.memref_slice %arg4[%select_n3A_564, %dma_wait3A_589, %mul3A_582] : memref<26x64x16384xf32, #tpu.memory_space<hbm>> -> memref<1x64x128xf32, #tpu.memory_space<hbm>>
        %dma_wait3A_591 = tpu.memref_squeeze %dma_wait3A_590 : memref<1x64x128xf32, #tpu.memory_space<hbm>> -> memref<64x128xf32, #tpu.memory_space<hbm>>
        %dma_wait3A_592 = tpu.memref_slice %arg9[%dma_wait3A_584] : memref<2x!tpu.dma_semaphore, #tpu.memory_space<semaphore_mem>> -> memref<1x!tpu.dma_semaphore, #tpu.memory_space<semaphore_mem>>
        %dma_wait3A_593 = tpu.memref_squeeze %dma_wait3A_592 : memref<1x!tpu.dma_semaphore, #tpu.memory_space<semaphore_mem>> -> memref<!tpu.dma_semaphore, #tpu.memory_space<semaphore_mem>>
        %dma_wait3A_594 = arith.constant 0 : i32
        %dma_wait3A_595 = tpu.memref_slice %arg4[%select_n3A_564, %dma_wait3A_594, %mul3A_582] : memref<26x64x16384xf32, #tpu.memory_space<hbm>> -> memref<1x64x128xf32, #tpu.memory_space<hbm>>
        %dma_wait3A_596 = tpu.memref_squeeze %dma_wait3A_595 : memref<1x64x128xf32, #tpu.memory_space<hbm>> -> memref<64x128xf32, #tpu.memory_space<hbm>>
        %dma_wait3A_597 = arith.constant 0 : i32
        %dma_wait3A_598 = arith.constant 0 : i32
        %dma_wait3A_599 = tpu.memref_slice %arg7[%dma_wait3A_583, %dma_wait3A_597, %dma_wait3A_598] : memref<2x64x129xf32, #tpu.memory_space<vmem>> -> memref<1x64x128xf32, #tpu.memory_space<vmem>>
        %dma_wait3A_600 = tpu.memref_squeeze %dma_wait3A_599 : memref<1x64x128xf32, #tpu.memory_space<vmem>> -> memref<64x128xf32, #tpu.memory_space<vmem>>
        tpu.wait_dma2 semaphore(%dma_wait3A_593 : memref<!tpu.dma_semaphore, #tpu.memory_space<semaphore_mem>>) src(%dma_wait3A_600 : memref<64x128xf32, #tpu.memory_space<vmem>>) dst(%dma_wait3A_596 : memref<64x128xf32, #tpu.memory_space<hbm>>)
      } else {
      }
      %parallel_loop3A_472 = arith.constant 0 : i32
      %parallel_loop3A_473 = arith.constant 128 : i32
      %parallel_loop3A_474 = arith.constant 1 : i32
      %parallel_loop3A_475 = arith.constant 3 : i32
      %parallel_loop3A_476 = arith.constant 1 : i32
      scf.for %parallel_loop3A_538 = %parallel_loop3A_472 to %parallel_loop3A_473 step %parallel_loop3A_474  : i32 {
        %parallel_loop3A_539 = vector.broadcast %parallel_loop3A_538 : i32 to vector<16xi32>
        %parallel_loop3A_540 = arith.constant 0 : i32
        %parallel_loop3A_541 = arith.constant 0 : i32
        %parallel_loop3A_542 = tpu.memref_slice %arg6[%parallel_loop3A_475, %parallel_loop3A_540, %parallel_loop3A_541] : memref<4x128x64xf32, #tpu.memory_space<vmem>> -> memref<1x128x64xf32, #tpu.memory_space<vmem>>
        %parallel_loop3A_543 = tpu.memref_squeeze %parallel_loop3A_542 : memref<1x128x64xf32, #tpu.memory_space<vmem>> -> memref<128x64xf32, #tpu.memory_space<vmem>>
        %parallel_loop3A_544 = arith.index_cast %parallel_loop3A_538 : i32 to index
        %parallel_loop3A_545 = arith.constant 0 : index
        %parallel_loop3A_546 = tpu.vector_load %parallel_loop3A_543[%parallel_loop3A_544, %parallel_loop3A_545] {strides = array<i32>} : memref<128x64xf32, #tpu.memory_space<vmem>>, vector<16xf32>,
        %parallel_loop3A_547 = arith.constant 0 : i32
        %parallel_loop3A_548 = arith.constant 0 : i32
        %parallel_loop3A_549 = tpu.memref_slice %arg7[%parallel_loop3A_476, %parallel_loop3A_547, %parallel_loop3A_548] : memref<2x64x129xf32, #tpu.memory_space<vmem>> -> memref<1x64x129xf32, #tpu.memory_space<vmem>>
        %parallel_loop3A_550 = tpu.memref_squeeze %parallel_loop3A_549 : memref<1x64x129xf32, #tpu.memory_space<vmem>> -> memref<64x129xf32, #tpu.memory_space<vmem>>
        tpu.vector_store_idx %parallel_loop3A_550[%add3A_5, %parallel_loop3A_539], %parallel_loop3A_546 : memref<64x129xf32, #tpu.memory_space<vmem>>[vector<16xi32>, vector<16xi32>], vector<16xf32>,
        %parallel_loop3A_551 = arith.constant 0 : i32
        %parallel_loop3A_552 = arith.constant 0 : i32
        %parallel_loop3A_553 = tpu.memref_slice %arg6[%parallel_loop3A_475, %parallel_loop3A_551, %parallel_loop3A_552] : memref<4x128x64xf32, #tpu.memory_space<vmem>> -> memref<1x128x64xf32, #tpu.memory_space<vmem>>
        %parallel_loop3A_554 = tpu.memref_squeeze %parallel_loop3A_553 : memref<1x128x64xf32, #tpu.memory_space<vmem>> -> memref<128x64xf32, #tpu.memory_space<vmem>>
        %parallel_loop3A_555 = arith.index_cast %parallel_loop3A_538 : i32 to index
        %parallel_loop3A_556 = arith.constant 16 : index
        %parallel_loop3A_557 = tpu.vector_load %parallel_loop3A_554[%parallel_loop3A_555, %parallel_loop3A_556] {strides = array<i32>} : memref<128x64xf32, #tpu.memory_space<vmem>>, vector<16xf32>,
        %parallel_loop3A_558 = arith.constant 0 : i32
        %parallel_loop3A_559 = arith.constant 0 : i32
        %parallel_loop3A_560 = tpu.memref_slice %arg7[%parallel_loop3A_476, %parallel_loop3A_558, %parallel_loop3A_559] : memref<2x64x129xf32, #tpu.memory_space<vmem>> -> memref<1x64x129xf32, #tpu.memory_space<vmem>>
        %parallel_loop3A_561 = tpu.memref_squeeze %parallel_loop3A_560 : memref<1x64x129xf32, #tpu.memory_space<vmem>> -> memref<64x129xf32, #tpu.memory_space<vmem>>
        tpu.vector_store_idx %parallel_loop3A_561[%add3A_8, %parallel_loop3A_539], %parallel_loop3A_557 : memref<64x129xf32, #tpu.memory_space<vmem>>[vector<16xi32>, vector<16xi32>], vector<16xf32>,
        %parallel_loop3A_562 = arith.constant 0 : i32
        %parallel_loop3A_563 = arith.constant 0 : i32
        %parallel_loop3A_564 = tpu.memref_slice %arg6[%parallel_loop3A_475, %parallel_loop3A_562, %parallel_loop3A_563] : memref<4x128x64xf32, #tpu.memory_space<vmem>> -> memref<1x128x64xf32, #tpu.memory_space<vmem>>
        %parallel_loop3A_565 = tpu.memref_squeeze %parallel_loop3A_564 : memref<1x128x64xf32, #tpu.memory_space<vmem>> -> memref<128x64xf32, #tpu.memory_space<vmem>>
        %parallel_loop3A_566 = arith.index_cast %parallel_loop3A_538 : i32 to index
        %parallel_loop3A_567 = arith.constant 32 : index
        %parallel_loop3A_568 = tpu.vector_load %parallel_loop3A_565[%parallel_loop3A_566, %parallel_loop3A_567] {strides = array<i32>} : memref<128x64xf32, #tpu.memory_space<vmem>>, vector<16xf32>,
        %parallel_loop3A_569 = arith.constant 0 : i32
        %parallel_loop3A_570 = arith.constant 0 : i32
        %parallel_loop3A_571 = tpu.memref_slice %arg7[%parallel_loop3A_476, %parallel_loop3A_569, %parallel_loop3A_570] : memref<2x64x129xf32, #tpu.memory_space<vmem>> -> memref<1x64x129xf32, #tpu.memory_space<vmem>>
        %parallel_loop3A_572 = tpu.memref_squeeze %parallel_loop3A_571 : memref<1x64x129xf32, #tpu.memory_space<vmem>> -> memref<64x129xf32, #tpu.memory_space<vmem>>
        tpu.vector_store_idx %parallel_loop3A_572[%add3A_11, %parallel_loop3A_539], %parallel_loop3A_568 : memref<64x129xf32, #tpu.memory_space<vmem>>[vector<16xi32>, vector<16xi32>], vector<16xf32>,
        %parallel_loop3A_573 = arith.constant 0 : i32
        %parallel_loop3A_574 = arith.constant 0 : i32
        %parallel_loop3A_575 = tpu.memref_slice %arg6[%parallel_loop3A_475, %parallel_loop3A_573, %parallel_loop3A_574] : memref<4x128x64xf32, #tpu.memory_space<vmem>> -> memref<1x128x64xf32, #tpu.memory_space<vmem>>
        %parallel_loop3A_576 = tpu.memref_squeeze %parallel_loop3A_575 : memref<1x128x64xf32, #tpu.memory_space<vmem>> -> memref<128x64xf32, #tpu.memory_space<vmem>>
        %parallel_loop3A_577 = arith.index_cast %parallel_loop3A_538 : i32 to index
        %parallel_loop3A_578 = arith.constant 48 : index
        %parallel_loop3A_579 = tpu.vector_load %parallel_loop3A_576[%parallel_loop3A_577, %parallel_loop3A_578] {strides = array<i32>} : memref<128x64xf32, #tpu.memory_space<vmem>>, vector<16xf32>,
        %parallel_loop3A_580 = arith.constant 0 : i32
        %parallel_loop3A_581 = arith.constant 0 : i32
        %parallel_loop3A_582 = tpu.memref_slice %arg7[%parallel_loop3A_476, %parallel_loop3A_580, %parallel_loop3A_581] : memref<2x64x129xf32, #tpu.memory_space<vmem>> -> memref<1x64x129xf32, #tpu.memory_space<vmem>>
        %parallel_loop3A_583 = tpu.memref_squeeze %parallel_loop3A_582 : memref<1x64x129xf32, #tpu.memory_space<vmem>> -> memref<64x129xf32, #tpu.memory_space<vmem>>
        tpu.vector_store_idx %parallel_loop3A_583[%add3A_14, %parallel_loop3A_539], %parallel_loop3A_579 : memref<64x129xf32, #tpu.memory_space<vmem>>[vector<16xi32>, vector<16xi32>], vector<16xf32>,
      } {sc.loop_unroll_factor = 4 : i64, sc.parallel_access}
      %add3A_477 = arith.addi %mul3A_2, %add3A_445 : i32
      %jit3A_478 = arith.constant 128 : i32
      %div3A_479 = arith.divsi %add3A_477, %jit3A_478 : i32
      %sign3A_480 = arith.constant 0 : i32
      %sign3A_481 = arith.cmpi sgt, %add3A_477, %sign3A_480 : i32
      %sign3A_482 = arith.extui %sign3A_481 : i1 to i32
      %sign3A_483 = arith.constant 0 : i32
      %sign3A_484 = arith.cmpi slt, %add3A_477, %sign3A_483 : i32
      %sign3A_485 = arith.extui %sign3A_484 : i1 to i32
      %sign3A_486 = arith.subi %sign3A_482, %sign3A_485 : i32
      %sign3A_487 = arith.constant 0 : i32
      %sign3A_488 = arith.cmpi sgt, %jit3A_478, %sign3A_487 : i32
      %sign3A_489 = arith.extui %sign3A_488 : i1 to i32
      %sign3A_490 = arith.constant 0 : i32
      %sign3A_491 = arith.cmpi slt, %jit3A_478, %sign3A_490 : i32
      %sign3A_492 = arith.extui %sign3A_491 : i1 to i32
      %sign3A_493 = arith.subi %sign3A_489, %sign3A_492 : i32
      %ne3A_494 = arith.cmpi ne, %sign3A_486, %sign3A_493 : i32
      %rem3A_495 = arith.remsi %add3A_477, %jit3A_478 : i32
      %ne3A_496 = arith.constant 0 : i32
      %ne3A_497 = arith.cmpi ne, %rem3A_495, %ne3A_496 : i32
      %and3A_498 = arith.andi %ne3A_494, %ne3A_497 : i1
      %sub3A_499 = arith.constant 1 : i32
      %sub3A_500 = arith.subi %div3A_479, %sub3A_499 : i32
      %select_n3A_501 = arith.select %and3A_498, %sub3A_500, %div3A_479 : i32
      %jit3A_502 = arith.constant 128 : i32
      %eq3A_503 = arith.constant 0 : i32
      %eq3A_504 = arith.cmpi eq, %jit3A_502, %eq3A_503 : i32
      %jit3A_505 = arith.constant 1 : i32
      %select_n3A_506 = arith.select %eq3A_504, %jit3A_505, %jit3A_502 : i32
      %rem3A_507 = arith.remsi %add3A_477, %select_n3A_506 : i32
      %ne3A_508 = arith.constant 0 : i32
      %ne3A_509 = arith.cmpi ne, %rem3A_507, %ne3A_508 : i32
      %lt3A_510 = arith.constant 0 : i32
      %lt3A_511 = arith.cmpi slt, %rem3A_507, %lt3A_510 : i32
      %lt3A_512 = arith.constant 0 : i32
      %lt3A_513 = arith.cmpi slt, %select_n3A_506, %lt3A_512 : i32
      %ne3A_514 = arith.xori %lt3A_511, %lt3A_513 : i1
      %and3A_515 = arith.andi %ne3A_514, %ne3A_509 : i1
      %add3A_516 = arith.addi %rem3A_507, %select_n3A_506 : i32
      %select_n3A_517 = arith.select %and3A_515, %add3A_516, %rem3A_507 : i32
      %mul3A_518 = arith.constant 128 : i32
      %mul3A_519 = arith.muli %select_n3A_517, %mul3A_518 : i32
      %dma_start3A_520 = arith.constant 1 : i32
      %dma_start3A_521 = arith.constant 1 : i32
      %dma_start3A_522 = arith.constant 0 : i32
      %dma_start3A_523 = arith.constant 0 : i32
      %dma_start3A_524 = tpu.memref_slice %arg7[%dma_start3A_520, %dma_start3A_522, %dma_start3A_523] : memref<2x64x129xf32, #tpu.memory_space<vmem>> -> memref<1x64x128xf32, #tpu.memory_space<vmem>>
      %dma_start3A_525 = tpu.memref_squeeze %dma_start3A_524 : memref<1x64x128xf32, #tpu.memory_space<vmem>> -> memref<64x128xf32, #tpu.memory_space<vmem>>
      %dma_start3A_526 = arith.constant 0 : i32
      %dma_start3A_527 = tpu.memref_slice %arg4[%select_n3A_501, %dma_start3A_526, %mul3A_519] : memref<26x64x16384xf32, #tpu.memory_space<hbm>> -> memref<1x64x128xf32, #tpu.memory_space<hbm>>
      %dma_start3A_528 = tpu.memref_squeeze %dma_start3A_527 : memref<1x64x128xf32, #tpu.memory_space<hbm>> -> memref<64x128xf32, #tpu.memory_space<hbm>>
      %dma_start3A_529 = tpu.memref_slice %arg9[%dma_start3A_521] : memref<2x!tpu.dma_semaphore, #tpu.memory_space<semaphore_mem>> -> memref<1x!tpu.dma_semaphore, #tpu.memory_space<semaphore_mem>>
      %dma_start3A_530 = tpu.memref_squeeze %dma_start3A_529 : memref<1x!tpu.dma_semaphore, #tpu.memory_space<semaphore_mem>> -> memref<!tpu.dma_semaphore, #tpu.memory_space<semaphore_mem>>
      %dma_start3A_531 = arith.constant 0 : i32
      %dma_start3A_532 = tpu.memref_slice %arg4[%select_n3A_501, %dma_start3A_531, %mul3A_519] : memref<26x64x16384xf32, #tpu.memory_space<hbm>> -> memref<1x64x128xf32, #tpu.memory_space<hbm>>
      %dma_start3A_533 = tpu.memref_squeeze %dma_start3A_532 : memref<1x64x128xf32, #tpu.memory_space<hbm>> -> memref<64x128xf32, #tpu.memory_space<hbm>>
      %dma_start3A_534 = arith.constant 0 : i32
      %dma_start3A_535 = arith.constant 0 : i32
      %dma_start3A_536 = tpu.memref_slice %arg7[%dma_start3A_520, %dma_start3A_534, %dma_start3A_535] : memref<2x64x129xf32, #tpu.memory_space<vmem>> -> memref<1x64x128xf32, #tpu.memory_space<vmem>>
      %dma_start3A_537 = tpu.memref_squeeze %dma_start3A_536 : memref<1x64x128xf32, #tpu.memory_space<vmem>> -> memref<64x128xf32, #tpu.memory_space<vmem>>
      tpu.enqueue_dma source(%dma_start3A_537 : memref<64x128xf32, #tpu.memory_space<vmem>>) target(%dma_start3A_533 : memref<64x128xf32, #tpu.memory_space<hbm>>) target_semaphore(%dma_start3A_530 : memref<!tpu.dma_semaphore, #tpu.memory_space<semaphore_mem>>)
    }
    %scan3A_47 = arith.constant 26 : i32
    %add3A_48 = arith.constant 102 : i32
    %add3A_49 = arith.addi %mul3A_2, %add3A_48 : i32
    %jit3A = arith.constant 128 : i32
    %div3A = arith.divsi %add3A_49, %jit3A : i32
    %sign3A = arith.constant 0 : i32
    %sign3A_50 = arith.cmpi sgt, %add3A_49, %sign3A : i32
    %sign3A_51 = arith.extui %sign3A_50 : i1 to i32
    %sign3A_52 = arith.constant 0 : i32
    %sign3A_53 = arith.cmpi slt, %add3A_49, %sign3A_52 : i32
    %sign3A_54 = arith.extui %sign3A_53 : i1 to i32
    %sign3A_55 = arith.subi %sign3A_51, %sign3A_54 : i32
    %sign3A_56 = arith.constant 0 : i32
    %sign3A_57 = arith.cmpi sgt, %jit3A, %sign3A_56 : i32
    %sign3A_58 = arith.extui %sign3A_57 : i1 to i32
    %sign3A_59 = arith.constant 0 : i32
    %sign3A_60 = arith.cmpi slt, %jit3A, %sign3A_59 : i32
    %sign3A_61 = arith.extui %sign3A_60 : i1 to i32
    %sign3A_62 = arith.subi %sign3A_58, %sign3A_61 : i32
    %ne3A = arith.cmpi ne, %sign3A_55, %sign3A_62 : i32
    %rem3A = arith.remsi %add3A_49, %jit3A : i32
    %ne3A_63 = arith.constant 0 : i32
    %ne3A_64 = arith.cmpi ne, %rem3A, %ne3A_63 : i32
    %and3A = arith.andi %ne3A, %ne3A_64 : i1
    %sub3A = arith.constant 1 : i32
    %sub3A_65 = arith.subi %div3A, %sub3A : i32
    %select_n3A = arith.select %and3A, %sub3A_65, %div3A : i32
    %jit3A_66 = arith.constant 128 : i32
    %eq3A = arith.constant 0 : i32
    %eq3A_67 = arith.cmpi eq, %jit3A_66, %eq3A : i32
    %jit3A_68 = arith.constant 1 : i32
    %select_n3A_69 = arith.select %eq3A_67, %jit3A_68, %jit3A_66 : i32
    %rem3A_70 = arith.remsi %add3A_49, %select_n3A_69 : i32
    %ne3A_71 = arith.constant 0 : i32
    %ne3A_72 = arith.cmpi ne, %rem3A_70, %ne3A_71 : i32
    %lt3A = arith.constant 0 : i32
    %lt3A_73 = arith.cmpi slt, %rem3A_70, %lt3A : i32
    %lt3A_74 = arith.constant 0 : i32
    %lt3A_75 = arith.cmpi slt, %select_n3A_69, %lt3A_74 : i32
    %ne3A_76 = arith.xori %lt3A_73, %lt3A_75 : i1
    %and3A_77 = arith.andi %ne3A_76, %ne3A_72 : i1
    %add3A_78 = arith.addi %rem3A_70, %select_n3A_69 : i32
    %select_n3A_79 = arith.select %and3A_77, %add3A_78, %rem3A_70 : i32
    %mul3A_80 = arith.constant 128 : i32
    %mul3A_81 = arith.muli %select_n3A_79, %mul3A_80 : i32
    %dma_wait3A = arith.constant 0 : i32
    %dma_wait3A_82 = arith.constant 0 : i32
    %dma_wait3A_83 = arith.constant 0 : i32
    %dma_wait3A_84 = arith.constant 0 : i32
    %dma_wait3A_85 = tpu.memref_slice %arg7[%dma_wait3A, %dma_wait3A_83, %dma_wait3A_84] : memref<2x64x129xf32, #tpu.memory_space<vmem>> -> memref<1x64x128xf32, #tpu.memory_space<vmem>>
    %dma_wait3A_86 = tpu.memref_squeeze %dma_wait3A_85 : memref<1x64x128xf32, #tpu.memory_space<vmem>> -> memref<64x128xf32, #tpu.memory_space<vmem>>
    %dma_wait3A_87 = arith.constant 0 : i32
    %dma_wait3A_88 = tpu.memref_slice %arg4[%select_n3A, %dma_wait3A_87, %mul3A_81] : memref<26x64x16384xf32, #tpu.memory_space<hbm>> -> memref<1x64x128xf32, #tpu.memory_space<hbm>>
    %dma_wait3A_89 = tpu.memref_squeeze %dma_wait3A_88 : memref<1x64x128xf32, #tpu.memory_space<hbm>> -> memref<64x128xf32, #tpu.memory_space<hbm>>
    %dma_wait3A_90 = tpu.memref_slice %arg9[%dma_wait3A_82] : memref<2x!tpu.dma_semaphore, #tpu.memory_space<semaphore_mem>> -> memref<1x!tpu.dma_semaphore, #tpu.memory_space<semaphore_mem>>
    %dma_wait3A_91 = tpu.memref_squeeze %dma_wait3A_90 : memref<1x!tpu.dma_semaphore, #tpu.memory_space<semaphore_mem>> -> memref<!tpu.dma_semaphore, #tpu.memory_space<semaphore_mem>>
    %dma_wait3A_92 = arith.constant 0 : i32
    %dma_wait3A_93 = tpu.memref_slice %arg4[%select_n3A, %dma_wait3A_92, %mul3A_81] : memref<26x64x16384xf32, #tpu.memory_space<hbm>> -> memref<1x64x128xf32, #tpu.memory_space<hbm>>
    %dma_wait3A_94 = tpu.memref_squeeze %dma_wait3A_93 : memref<1x64x128xf32, #tpu.memory_space<hbm>> -> memref<64x128xf32, #tpu.memory_space<hbm>>
    %dma_wait3A_95 = arith.constant 0 : i32
    %dma_wait3A_96 = arith.constant 0 : i32
    %dma_wait3A_97 = tpu.memref_slice %arg7[%dma_wait3A, %dma_wait3A_95, %dma_wait3A_96] : memref<2x64x129xf32, #tpu.memory_space<vmem>> -> memref<1x64x128xf32, #tpu.memory_space<vmem>>
    %dma_wait3A_98 = tpu.memref_squeeze %dma_wait3A_97 : memref<1x64x128xf32, #tpu.memory_space<vmem>> -> memref<64x128xf32, #tpu.memory_space<vmem>>
    tpu.wait_dma2 semaphore(%dma_wait3A_91 : memref<!tpu.dma_semaphore, #tpu.memory_space<semaphore_mem>>) src(%dma_wait3A_98 : memref<64x128xf32, #tpu.memory_space<vmem>>) dst(%dma_wait3A_94 : memref<64x128xf32, #tpu.memory_space<hbm>>)
    %add3A_99 = arith.constant 103 : i32
    %add3A_100 = arith.addi %mul3A_2, %add3A_99 : i32
    %jit3A_101 = arith.constant 128 : i32
    %div3A_102 = arith.divsi %add3A_100, %jit3A_101 : i32
    %sign3A_103 = arith.constant 0 : i32
    %sign3A_104 = arith.cmpi sgt, %add3A_100, %sign3A_103 : i32
    %sign3A_105 = arith.extui %sign3A_104 : i1 to i32
    %sign3A_106 = arith.constant 0 : i32
    %sign3A_107 = arith.cmpi slt, %add3A_100, %sign3A_106 : i32
    %sign3A_108 = arith.extui %sign3A_107 : i1 to i32
    %sign3A_109 = arith.subi %sign3A_105, %sign3A_108 : i32
    %sign3A_110 = arith.constant 0 : i32
    %sign3A_111 = arith.cmpi sgt, %jit3A_101, %sign3A_110 : i32
    %sign3A_112 = arith.extui %sign3A_111 : i1 to i32
    %sign3A_113 = arith.constant 0 : i32
    %sign3A_114 = arith.cmpi slt, %jit3A_101, %sign3A_113 : i32
    %sign3A_115 = arith.extui %sign3A_114 : i1 to i32
    %sign3A_116 = arith.subi %sign3A_112, %sign3A_115 : i32
    %ne3A_117 = arith.cmpi ne, %sign3A_109, %sign3A_116 : i32
    %rem3A_118 = arith.remsi %add3A_100, %jit3A_101 : i32
    %ne3A_119 = arith.constant 0 : i32
    %ne3A_120 = arith.cmpi ne, %rem3A_118, %ne3A_119 : i32
    %and3A_121 = arith.andi %ne3A_117, %ne3A_120 : i1
    %sub3A_122 = arith.constant 1 : i32
    %sub3A_123 = arith.subi %div3A_102, %sub3A_122 : i32
    %select_n3A_124 = arith.select %and3A_121, %sub3A_123, %div3A_102 : i32
    %jit3A_125 = arith.constant 128 : i32
    %eq3A_126 = arith.constant 0 : i32
    %eq3A_127 = arith.cmpi eq, %jit3A_125, %eq3A_126 : i32
    %jit3A_128 = arith.constant 1 : i32
    %select_n3A_129 = arith.select %eq3A_127, %jit3A_128, %jit3A_125 : i32
    %rem3A_130 = arith.remsi %add3A_100, %select_n3A_129 : i32
    %ne3A_131 = arith.constant 0 : i32
    %ne3A_132 = arith.cmpi ne, %rem3A_130, %ne3A_131 : i32
    %lt3A_133 = arith.constant 0 : i32
    %lt3A_134 = arith.cmpi slt, %rem3A_130, %lt3A_133 : i32
    %lt3A_135 = arith.constant 0 : i32
    %lt3A_136 = arith.cmpi slt, %select_n3A_129, %lt3A_135 : i32
    %ne3A_137 = arith.xori %lt3A_134, %lt3A_136 : i1
    %and3A_138 = arith.andi %ne3A_137, %ne3A_132 : i1
    %add3A_139 = arith.addi %rem3A_130, %select_n3A_129 : i32
    %select_n3A_140 = arith.select %and3A_138, %add3A_139, %rem3A_130 : i32
    %mul3A_141 = arith.constant 128 : i32
    %mul3A_142 = arith.muli %select_n3A_140, %mul3A_141 : i32
    %dma_wait3A_143 = arith.constant 1 : i32
    %dma_wait3A_144 = arith.constant 1 : i32
    %dma_wait3A_145 = arith.constant 0 : i32
    %dma_wait3A_146 = arith.constant 0 : i32
    %dma_wait3A_147 = tpu.memref_slice %arg7[%dma_wait3A_143, %dma_wait3A_145, %dma_wait3A_146] : memref<2x64x129xf32, #tpu.memory_space<vmem>> -> memref<1x64x128xf32, #tpu.memory_space<vmem>>
    %dma_wait3A_148 = tpu.memref_squeeze %dma_wait3A_147 : memref<1x64x128xf32, #tpu.memory_space<vmem>> -> memref<64x128xf32, #tpu.memory_space<vmem>>
    %dma_wait3A_149 = arith.constant 0 : i32
    %dma_wait3A_150 = tpu.memref_slice %arg4[%select_n3A_124, %dma_wait3A_149, %mul3A_142] : memref<26x64x16384xf32, #tpu.memory_space<hbm>> -> memref<1x64x128xf32, #tpu.memory_space<hbm>>
    %dma_wait3A_151 = tpu.memref_squeeze %dma_wait3A_150 : memref<1x64x128xf32, #tpu.memory_space<hbm>> -> memref<64x128xf32, #tpu.memory_space<hbm>>
    %dma_wait3A_152 = tpu.memref_slice %arg9[%dma_wait3A_144] : memref<2x!tpu.dma_semaphore, #tpu.memory_space<semaphore_mem>> -> memref<1x!tpu.dma_semaphore, #tpu.memory_space<semaphore_mem>>
    %dma_wait3A_153 = tpu.memref_squeeze %dma_wait3A_152 : memref<1x!tpu.dma_semaphore, #tpu.memory_space<semaphore_mem>> -> memref<!tpu.dma_semaphore, #tpu.memory_space<semaphore_mem>>
    %dma_wait3A_154 = arith.constant 0 : i32
    %dma_wait3A_155 = tpu.memref_slice %arg4[%select_n3A_124, %dma_wait3A_154, %mul3A_142] : memref<26x64x16384xf32, #tpu.memory_space<hbm>> -> memref<1x64x128xf32, #tpu.memory_space<hbm>>
    %dma_wait3A_156 = tpu.memref_squeeze %dma_wait3A_155 : memref<1x64x128xf32, #tpu.memory_space<hbm>> -> memref<64x128xf32, #tpu.memory_space<hbm>>
    %dma_wait3A_157 = arith.constant 0 : i32
    %dma_wait3A_158 = arith.constant 0 : i32
    %dma_wait3A_159 = tpu.memref_slice %arg7[%dma_wait3A_143, %dma_wait3A_157, %dma_wait3A_158] : memref<2x64x129xf32, #tpu.memory_space<vmem>> -> memref<1x64x128xf32, #tpu.memory_space<vmem>>
    %dma_wait3A_160 = tpu.memref_squeeze %dma_wait3A_159 : memref<1x64x128xf32, #tpu.memory_space<vmem>> -> memref<64x128xf32, #tpu.memory_space<vmem>>
    tpu.wait_dma2 semaphore(%dma_wait3A_153 : memref<!tpu.dma_semaphore, #tpu.memory_space<semaphore_mem>>) src(%dma_wait3A_160 : memref<64x128xf32, #tpu.memory_space<vmem>>) dst(%dma_wait3A_156 : memref<64x128xf32, #tpu.memory_space<hbm>>)
    return
  }
}

</mosaic_0001>

<sc_bundles>
// kernel: kernel.3.cloned.1.call-start
scs
__scs_entry_jumppad:
0x0: {  	(pc) =	sbr.rel $0x88, $3  }
0x1: {  	(tag) =	ssettag $0x0;
	lr =	simm.s32 $0x1  }
0x2: {  	[smem:$0x3F9F] =	sst lr;
	_ =	strace $0xD0000000  }
0x3: {  	_ = 	snop  }
0x4: {  	_ = 	snop  }
0x5: {  	_ = 	snop  }
0x6: {  	_ = 	snop  }
0x7: {  	_ = 	snop  }
__scs_overlays_trampoline_lowered:
0x8: {  	[smem:$0x3FAE] =	sst s0  }
0x9: {  	[smem:$0x3FAF] =	sst s1  }
0xa: {  	[smem:$0x3FB0] =	sst s2  }
0xb: {  	[smem:$0x3FB1] =	sst s3  }
0xc: {  	[smem:$0x3FB2] =	sst s4  }
0xd: {  	[smem:$0x3FB3] =	sst s5  }
0xe: {  	[smem:$0x3FB4] =	sst s6  }
0xf: {  	[smem:$0x3FB5] =	sst s7  }
0x10: {  	[smem:$0x3FB6] =	sst s8  }
0x11: {  	[smem:$0x3FB7] =	sst s9;
	s0 =	simm.s32 @!p0 $0x0  }
0x12: {  	s1 =	sld [smem:$0x3F9D];
	s0 =	simm.s32 @p0 $0x1  }
0x13: {  	[smem:$0x3FB8] =	sst s0;
	s0 =	simm.s32 @!p1 $0x0  }
0x14: {  	s2 =	sld [smem:$0x3F9C];
	s0 =	simm.s32 @p1 $0x1  }
0x15: {  	[smem:$0x3FB9] =	sst s0;
	s0 =	simm.s32 @!p2 $0x0  }
0x16: {  	s3 =	sld [smem:$0x3FDB];
	s0 =	simm.s32 @p2 $0x1  }
0x17: {  	s4 =	simm.s32 $0x1BF5;
	[smem:$0x3FBB] =	sst s0  }
0x18: {  	s0 =	sld [smem:$0x3F9E];
	_ =	swait.ge [sflag:s4], $0x0  }
0x19: {  	s7 =	sld [smem:$0x3F9F]  }
0x1a: {  	s8 =	sadd.s32 $0xFFFFE003, lr  }
0x1b: {  	s9 =	sadd.s32 $0xFFFFFEF7, lr;
	s5 =	simm.s32 $0xFFFFFFFF;
	p2 =	slt.u32 s8, $0xFFFFF086  }
0x1c: {  	p1 =	slt.u32 s9, $0xF7A;
	s5 =	simm.s32 @!p2 $0x0  }
0x1d: {  	s5 =	simm.s32 @p1 $0x1;
	p0 =	seq.s32 s7, s2  }
0x1e: {  	s7 =	smul.u32 @!p0 $0xF7A, s2;
	p2 =	seq.s32 @!p0 s5, $0x0  }
0x1f: {  	s9 =	smul.u32 $0xF7A, s1;
	s8 =	simm.s32 @!p0 $0x1BF5;
	p2 =	por !p2, p0  }
0x20: {  	[sflag:s8] =	ssyncset.s32 @!p0 $0xFFFFF086;
	s6 =	sadd.s32 @!p0 s3, s7;
	s7 =	simm.s32 @!p0 $0x108  }
0x21: {  	s3 =	sadd.s32 s3, s9;
	s6 =	sadd.s32 @!p0 $0x88, s6;
	s7 =	simm.s32 @p2 $0x1082  }
0x22: {  	[simem:s7], [sflag:s8] =	dma.local @!p0 [hbm:s6], $0xF7A  }
0x23: {  	s9 =	sor.u32 $0xD0000000, s2;
	s6 =	simm.s32 $0x108;
	_ =	swait.ge @!p0 [sflag:s8], $0x0  }
0x24: {  	s3 =	sadd.s32 $0x88, s3;
	s6 =	simm.s32 @!p1 $0x1082;
	[sflag:s4] =	ssyncset.s32 $0xFFFFF086  }
0x25: {  	[simem:s6], [sflag:s4] =	dma.local [hbm:s3], $0xF7A  }
0x26: {  	[smem:$0x3F9F] =	sst s1;
	(tag) =	ssettag s2;
	_ =	strace s9  }
0x27: {  	s1 =	sld [smem:$0x3FAF]  }
0x28: {  	s2 =	sld [smem:$0x3FB0]  }
0x29: {  	s4 =	sld [smem:$0x3FB2]  }
0x2a: {  	p0 =	seq.s32 s5, $0x0;
	s5 =	sld [smem:$0x3FB3]  }
0x2b: {  	s6 =	sld [smem:$0x3FB4]  }
0x2c: {  	s7 =	sld [smem:$0x3FB5]  }
0x2d: {  	s3 =	simm.s32 $0x108;
	s8 =	sld [smem:$0x3FB6]  }
0x2e: {  	s3 =	simm.s32 @!p0 $0x1082;
	s9 =	sld [smem:$0x3FB7]  }
0x2f: {  	lr =	sadd.s32 s0, s3;
	s0 =	sld [smem:$0x3FAE]  }
0x30: {  	s3 =	sld [smem:$0x3FB1]  }
0x31: {  	[smem:$0x3FBA] =	sst s10  }
0x32: {  	s10 =	sld [smem:$0x3FB8];
	_ =	sdelay $0x3  }
0x33: {  	p0 =	seq.s32 s10, $0x1;
	s10 =	sld [smem:$0x3FBA];
	_ =	sdelay $0x3  }
0x34: {  	[smem:$0x3FBA] =	sst s10  }
0x35: {  	s10 =	sld [smem:$0x3FB9];
	_ =	sdelay $0x3  }
0x36: {  	p1 =	seq.s32 s10, $0x1;
	s10 =	sld [smem:$0x3FBA];
	_ =	sdelay $0x3  }
0x37: {  	[smem:$0x3FBA] =	sst s10  }
0x38: {  	s10 =	sld [smem:$0x3FBB]  }
0x39: {  	_ = 	snop;
	(pc) =	sbr.ind lr, $3  }
0x3a: {  	_ = 	snop  }
0x3b: {  	_ = 	snop  }
0x3c: {  	p2 =	seq.s32 s10, $0x1;
	s10 =	sld [smem:$0x3FBA]  }
0x3d: {  	_ =	shalt  }
0x3e: {  	_ =	shalt  }
0x3f: {  	_ =	shalt  }
0x40: {  	_ =	shalt  }
0x41: {  	_ =	shalt  }
0x42: {  	_ =	shalt  }
0x43: {  	_ =	shalt  }
0x44: {  	_ =	shalt  }
0x45: {  	_ =	shalt  }
0x46: {  	_ =	shalt  }
0x47: {  	_ =	shalt  }
0x48: {  	_ =	shalt  }
0x49: {  	_ =	shalt  }
0x4a: {  	_ =	shalt  }
0x4b: {  	_ =	shalt  }
0x4c: {  	_ =	shalt  }
0x4d: {  	_ =	shalt  }
0x4e: {  	_ =	shalt  }
0x4f: {  	_ =	shalt  }
0x50: {  	_ =	shalt  }
0x51: {  	_ =	shalt  }
0x52: {  	_ =	shalt  }
0x53: {  	_ =	shalt  }
0x54: {  	_ =	shalt  }
0x55: {  	_ =	shalt  }
0x56: {  	_ =	shalt  }
0x57: {  	_ =	shalt  }
0x58: {  	_ =	shalt  }
0x59: {  	_ =	shalt  }
0x5a: {  	_ =	shalt  }
0x5b: {  	_ =	shalt  }
0x5c: {  	_ =	shalt  }
0x5d: {  	_ =	shalt  }
0x5e: {  	_ =	shalt  }
0x5f: {  	_ =	shalt  }
0x60: {  	_ =	shalt  }
0x61: {  	_ =	shalt  }
0x62: {  	_ =	shalt  }
0x63: {  	_ =	shalt  }
0x64: {  	_ =	shalt  }
0x65: {  	_ =	shalt  }
0x66: {  	_ =	shalt  }
0x67: {  	_ =	shalt  }
0x68: {  	_ =	shalt  }
0x69: {  	_ =	shalt  }
0x6a: {  	_ =	shalt  }
0x6b: {  	_ =	shalt  }
0x6c: {  	_ =	shalt  }
0x6d: {  	_ =	shalt  }
0x6e: {  	_ =	shalt  }
0x6f: {  	_ =	shalt  }
0x70: {  	_ =	shalt  }
0x71: {  	_ =	shalt  }
0x72: {  	_ =	shalt  }
0x73: {  	_ =	shalt  }
0x74: {  	_ =	shalt  }
0x75: {  	_ =	shalt  }
0x76: {  	_ =	shalt  }
0x77: {  	_ =	shalt  }
0x78: {  	_ =	shalt  }
0x79: {  	_ =	shalt  }
0x7a: {  	_ =	shalt  }
0x7b: {  	_ =	shalt  }
0x7c: {  	_ =	shalt  }
0x7d: {  	_ =	shalt  }
0x7e: {  	_ =	shalt  }
0x7f: {  	_ =	shalt  }
0x80: {  	_ =	shalt  }
0x81: {  	_ =	shalt  }
0x82: {  	_ =	shalt  }
0x83: {  	_ =	shalt  }
0x84: {  	_ =	shalt  }
0x85: {  	_ =	shalt  }
0x86: {  	_ =	shalt  }
0x87: {  	_ =	shalt  }
.Lfunc_end0:
.L_simem_size_0:
called_computation_lowered:
.L_overlay_start_0:
0x88: {  	s2 =	sld [smem:$0x3FD9]  }
0x89: {  	s3 =	sld [smem:$0x3FFE];
	_ =	sdelay $0x1  }
0x8a: {  	s1 =	srdreg.scid  }
0x8b: {  	s0 =	sand.u32 $0x1, s1  }
0x8c: {  	s17 =	sshll.u32 s0, $0xA;
	s2 =	sadd.s32 s3, s2  }
0x8d: {  	s2 =	sadd.s32 s2, s17  }
0x8e: {  	[smem:$0x3FC6] =	sst s2  }
0x8f: {  	_ = 	snop  }
0x90: {  	s2 =	sld [smem:$0x3FD0];
	(tm) =	ssettm $0x1  }
0x91: {  	s18 =	sld [smem:$0x3FFB];
	_ =	sdelay $0x3  }
0x92: {  	_ =	strace s18  }
0x93: {  	s3 =	sld [smem:$0x3FFC];
	_ =	sdelay $0x3  }
0x94: {  	_ =	strace s3  }
0x95: {  	s3 =	sld [smem:$0x3FFD];
	_ =	sdelay $0x3  }
0x96: {  	_ =	strace s3  }
0x97: {  	_ =	strace $0x8FFFFFFF  }
0x98: {  	s19 =	sld [smem:$0x3FDB];
	_ =	sdelay $0x1  }
0x99: {  	s4 =	simm.s32 $_scs_section_size  }
0x9a: {  	s5 =	simm.s32 $_size__tile_overlayer_lowered;
	s6 =	simm.s32 $_tile_overlayer_lowered  }
0x9b: {  	s22 =	simm.s32 $0x1BFF;
	s21 =	sshll.u32 s6, $0x1;
	s3 =	sadd.s32 s4, s19  }
0x9c: {  	s7 =	simm.s32 $0x0;
	s20 =	sshll.u32 s5, $0x1;
	s5 =	sadd.s32 s21, s3  }
0x9d: {  	[timem:s7], [sflag:s22] =	dma.local [hbm:s5], s20  }
0x9e: {  	_ =	swait.ge [sflag:s22], s20  }
0x9f: {  	s4 =	ssub.s32 $0x0, s20;
	[sflag:s22] =	ssyncset.done $0x0  }
0xa0: {  	[sflag:s22] =	ssyncadd.s32 s4;
	_ =	sdelay $0x1  }
0xa1: {  	s23 =	simm.s32 $0x1B8B  }
0xa2: {  	_ =	swait.ge [sflag:s23], $0x1  }
0xa3: {  	[sflag:s23] =	ssyncset.done $0x0  }
0xa4: {  	s25 =	simm.s32 $0x1B8E;
	s24 =	sld [smem:$0x3FFE];
	[sflag:s23] =	ssyncadd.s32 $0xFFFFFFFF  }
0xa5: {  	s26 =	simm.s32 $execute0_lowered;
	[smem:$0x3FD2] =	sst s25  }
0xa6: {  	s5 =	sshll.u32 s26, $0x1;
	_ =	strace $0x80000046;
	[dreg:$0x1] =	wrdreg $0xFFFFFFFF  }
0xa7: {  	s28 =	simm.s32 $_size_execute0_lowered;
	s3 =	sadd.s32 s3, s5;
	[dreg:$0x0] =	wrdreg $0x0  }
0xa8: {  	s5 =	sshll.u32 s28, $0x1;
	[dreg:$0x2] =	wrdreg s3  }
0xa9: {  	[dreg:$0x3] =	wrdreg s5  }
0xaa: {  	[dreg:$0x4] =	wrdreg $0xC0  }
0xab: {  	_ =	task [dreg:s7], $0x5FFFF  }
0xac: {  	[dreg:$0x1] =	wrdreg $0xFFFFFFFF  }
0xad: {  	[dreg:$0x0] =	wrdreg $0x60  }
0xae: {  	[dreg:$0x2] =	wrdreg s2  }
0xaf: {  	[dreg:$0x3] =	wrdreg s24  }
0xb0: {  	[dreg:$0x4] =	wrdreg $0x9  }
0xb1: {  	_ =	task.clear_ibuf [dreg:s7], $0x5FFFF;
	_ =	strace $0x90000046  }
0xb2: {  	s29 =	simm.s32 $0x9;
	_ =	strace $0x80000048  }
0xb3: {  	_ =	swait.ge [sflag:s29], $0x1  }
0xb4: {  	[sflag:s29] =	ssyncadd.s32 $0xFFFFFFFF  }
0xb5: {  	_ =	strace $0x90000048  }
0xb6: {  	_ =	sfence  }
0xb7: {  	s30 =	sld [smem:$0x0];
	_ =	sdelay $0x2  }
0xb8: {  	s31 =	sshll.u32 s1, $0xD;
	s1 =	sshrl.u32 s1, $0x2  }
0xb9: {  	s3 =	sand.u32 $0x4000, s31;
	s1 =	sadd.s32 s1, s30  }
0xba: {  	s0 =	sor.u32 s3, s0;
	s1 =	sshll.u32 s1, $0x11  }
0xbb: {  	s0 =	sor.u32 s1, s0  }
0xbc: {  	s0 =	sadd.s32 $0x8F2B, s0  }
0xbd: {  	[sflag:s0] =	ssyncadd.remote.s32 $0x1  }
0xbe: {  	_ =	sfence.sel $0xFFFF  }
0xbf: {  	[dreg:$0x0] =	wrdreg $0xFFFFFFFF;
	(pc) =	sbr.abs _section_cstart, $3  }
0xc0: {  	[dreg:$0x1] =	wrdreg $0xFFFFFFFF  }
0xc1: {  	_ =	task.clear_ibuf [dreg:s7], $0x2FFFF;
	_ =	strace $0x9FFFFFFF  }
0xc2: {  	(tm) =	ssettm $0x7FFFFFFF  }
0xc3: {  	_ =	shalt  }
tec
execute0_lowered:
.L_overlay_start_1:
0x0: {  	(tag) =	ssettag $0x1  }
0x1: {  	s0 =	rddreg [dreg:$0x0]  }
0x2: {  	s4 =	rddreg [dreg:$0x1]  }
0x3: {  	s3 =	srdreg.scid;
	s1 =	stileid.u32  }
0x4: {  	s2 =	simm.s32 $0x0;
	s9 =	simm.s32 $0x80;
	s10 =	simm.s32 $0x3400  }
0x5: {  	s11 =	simm.s32 $0x5400;
	s12 =	simm.s32 $0x1;
	s13 =	simm.s32 $0x7400  }
0x6: {  	s14 =	simm.s32 $0xB400;
	s15 =	simm.s32 $0x2;
	s16 =	simm.s32 $0x9400  }
0x7: {  	s17 =	simm.s32 $0xD600;
	s18 =	simm.s32 $0x3;
	s19 =	simm.s32 $0x5  }
0x8: {  	s20 =	simm.s32 $0x4;
	s21 =	simm.s32 $0x6;
	s22 =	simm.s32 $0x0  }
0x9: {  	s3 =	sand.u32 $0x1, s3;
	s5 =	sshll.u32 s1, $0x1;
	[smem:$0x7FF] =	sst s2  }
0xa: {  	v0 =	vlaneseq.u32;
	s6 =	ssub.s32 $0x2, s3;
	s5 =	sor.u32 s3, s5;
	_ =	strace $0x80000047  }
0xb: {  	v0 =	vmul.u32 $0x88, v0;
	s3 =	sadd.s32 $0xF42A00, s4;
	s7 =	sshrl.u32 s6, $0x1;
	s8 =	smul.u32 $0x680, s5  }
0xc: {  	s4 =	sadd.s32 $0x600, s4;
	s5 =	smul.u32 $0x68, s5;
	s7 =	ssub.s32 s6, s7  }
0xd: {  	v1 =	vadd.s32 $0x880, v0;
	v2 =	vadd.s32 $0x1100, v0;
	v3 =	vadd.s32 $0x1980, v0;
	s6 =	sadd.s32 s0, s8;
	s7 =	smax.u32 s7, $0x1;
	s8 =	simm.s32 $0x7  }
.LBB2_1:
0xe: {  	[tilespmem:s2], [sflag:$0x7] =	stream.linear.gather [hbm4b:s6+s2], $0x3400, $0x38;
	[tilespmem:$0xF800] =	vst v63  }
0xf: {  	_ =	swait.ge [sflag:s8], $0x3400  }
0x10: {  	[sflag:s8] =	ssyncset.done $0x0  }
0x11: {  	[sflag:s8] =	ssyncadd.s32 $0xFFFFCC00  }
0x12: {  	[tilespmem:s10], [sflag:$0x1] =	stream.indirect.gather [hbm4b:s3+s9], $0x40, s2, s9, $0xb8;
	[tilespmem:$0xF800] =	vst v63  }
0x13: {  	s23 =	simm.s32 $0x0  }
0x14: {  	[tilespmem:s11], [sflag:$0x2] =	stream.indirect.gather [hbm4b:s3+s9], $0x40, s9, s9, $0xb8;
	[tilespmem:$0xF800] =	vst v63  }
.LBB2_2:
0x15: {  	s26 =	sshll.u32 s23, $0x2  }
0x16: {  	_ =	swait.ge [sflag:s12], $0x2000;
	s24 =	sor.u32 $0x2, s26  }
0x17: {  	[sflag:s12] =	ssyncset.done $0x0;
	s0 =	sshll.u32 s24, $0x7  }
0x18: {  	p0 =	seq.s32 s23, $0x0;
	[sflag:s12] =	ssyncadd.s32 $0xFFFFE000;
	s0 =	sand.u32 $0x3FFFFF00, s0  }
0x19: {  	[tilespmem:s13], [sflag:$0x3] =	stream.indirect.gather [hbm4b:s3+s9], $0x40, s0, s9, $0xb8;
	[tilespmem:$0xF800] =	vst v63  }
0x1a: {  	s0 =	simm.s32 @!p0 $0x5  }
0x1b: {  	s25 =	simm.s32 $0x3;
	_ =	swait.ge @!p0 [sflag:s0], $0x2000  }
0x1c: {  	v4 =	vmov s25;
	s25 =	simm.s32 $0x0;
	[sflag:s0] =	ssyncset.done @!p0 $0x0  }
0x1d: {  	s28 =	simm.s32 $0x3480;
	v5 =	vand.u32 $0x7F, v4;
	v4 =	vmov s25;
	s25 =	simm.s32 $0x1;
	[sflag:s0] =	ssyncadd.s32 @!p0 $0xFFFFE000  }
0x1e: {  	v8 =	vadd.s32 v0, v5;
	v6 =	vand.u32 $0x7C, v4;
	v4 =	vmov s25;
	v7 =	vld [tilespmem:s28+$0x40]  }
0x1f: {  	v10 =	vadd.s32 v0, v6;
	v11 =	vand.u32 $0x7D, v4;
	v9 =	vld [tilespmem:s28+$0xFFFFFF80]  }
0x20: {  	s25 =	simm.s32 $0x2;
	v12 =	vadd.s32 v0, v11;
	v4 =	vld [tilespmem:s28+$0xFFFFFFC0]  }
0x21: {  	v13 =	vmov s25  }
0x22: {  	v13 =	vand.u32 $0x7E, v13  }
0x23: {  	v15 =	vadd.s32 v0, v13;
	v14 =	vld [tilespmem:s28+$0x0];
	[tilespmem:v8+s14+$0x0] =	vst.idx.msk $0xffff, v7  }
0x24: {  	v8 =	vadd.s32 v1, v5;
	[tilespmem:v10+s14+$0x0] =	vst.idx.msk $0xffff, v9;
	v7 =	vld [tilespmem:s28+$0x50]  }
0x25: {  	v10 =	vadd.s32 v1, v6;
	[tilespmem:v12+s14+$0x0] =	vst.idx.msk $0xffff, v4;
	v9 =	vld [tilespmem:s28+$0xFFFFFF90]  }
0x26: {  	v12 =	vadd.s32 v1, v11;
	v4 =	vld [tilespmem:s28+$0xFFFFFFD0];
	_ =	sdelay $0x1  }
0x27: {  	[tilespmem:v15+s14+$0x0] =	vst.idx.msk $0xffff, v14  }
0x28: {  	v16 =	vadd.s32 v1, v13;
	v15 =	vld [tilespmem:s28+$0x10];
	[tilespmem:v8+s14+$0x0] =	vst.idx.msk $0xffff, v7  }
0x29: {  	s0 =	simm.s32 $0x7;
	v14 =	vadd.s32 v2, v5;
	[tilespmem:v10+s14+$0x0] =	vst.idx.msk $0xffff, v9;
	v7 =	vld [tilespmem:s28+$0x60]  }
0x2a: {  	s25 =	simm.s32 $0x4;
	v10 =	vadd.s32 v2, v6;
	v8 =	vmov s0;
	[tilespmem:v12+s14+$0x0] =	vst.idx.msk $0xffff, v4;
	v9 =	vld [tilespmem:s28+$0xFFFFFFA0]  }
0x2b: {  	v17 =	vadd.s32 v2, v11;
	v4 =	vmov s25;
	s25 =	simm.s32 $0x3580;
	v8 =	vand.u32 $0x7F, v8;
	v12 =	vld [tilespmem:s28+$0xFFFFFFE0]  }
0x2c: {  	v18 =	vld [tilespmem:s25+$0x40];
	v19 =	vadd.s32 v0, v8  }
0x2d: {  	s0 =	simm.s32 $0x5;
	[tilespmem:v16+s14+$0x0] =	vst.idx.msk $0xffff, v15  }
0x2e: {  	v4 =	vand.u32 $0x7C, v4;
	v22 =	vmov s0;
	[tilespmem:v14+s14+$0x0] =	vst.idx.msk $0xffff, v7  }
0x2f: {  	v20 =	vld [tilespmem:s25+$0xFFFFFF80];
	s0 =	simm.s32 $0x6;
	v21 =	vadd.s32 v0, v4;
	v7 =	vand.u32 $0x7D, v22;
	[tilespmem:v10+s14+$0x0] =	vst.idx.msk $0xffff, v9  }
0x30: {  	v14 =	vmov s0;
	v9 =	vld [tilespmem:s25+$0xFFFFFFC0];
	[tilespmem:v17+s14+$0x0] =	vst.idx.msk $0xffff, v12;
	v10 =	vadd.s32 v0, v7  }
0x31: {  	v16 =	vadd.s32 v3, v5;
	v12 =	vld [tilespmem:s28+$0x20];
	v5 =	vand.u32 $0x7E, v14;
	[tilespmem:v19+s14+$0x0] =	vst.idx.msk $0xffff, v18;
	v18 =	vadd.s32 v2, v13  }
0x32: {  	v14 =	vld [tilespmem:s25+$0x0];
	v63 =	vadd.s32 v0, v5  }
0x33: {  	v15 =	vld [tilespmem:s28+$0x70]  }
0x34: {  	[tilespmem:v21+s14+$0x0] =	vst.idx.msk $0xffff, v20;
	v20 =	vadd.s32 v1, v8;
	v19 =	vld [tilespmem:s25+$0x50]  }
0x35: {  	v23 =	vadd.s32 v1, v4;
	v21 =	vld [tilespmem:s25+$0xFFFFFF90];
	[tilespmem:v10+s14+$0x0] =	vst.idx.msk $0xffff, v9  }
0x36: {  	v25 =	vadd.s32 v3, v11;
	v24 =	vld [tilespmem:s28+$0xFFFFFFF0];
	[tilespmem:v18+s14+$0x0] =	vst.idx.msk $0xffff, v12  }
0x37: {  	v18 =	vadd.s32 v1, v7;
	v17 =	vld [tilespmem:s25+$0xFFFFFFD0];
	[tilespmem:v63+s14+$0x0] =	vst.idx.msk $0xffff, v14  }
0x38: {  	[tilespmem:v16+s14+$0x0] =	vst.idx.msk $0xffff, v15;
	v16 =	vadd.s32 v1, v5;
	v15 =	vld [tilespmem:s25+$0x10]  }
0x39: {  	[tilespmem:v20+s14+$0x0] =	vst.idx.msk $0xffff, v19;
	v11 =	vld [tilespmem:s28+$0x30];
	v14 =	vadd.s32 v3, v13  }
0x3a: {  	v12 =	vadd.s32 v2, v8;
	[tilespmem:v23+s14+$0x0] =	vst.idx.msk $0xffff, v21;
	v9 =	vld [tilespmem:s25+$0x60]  }
0x3b: {  	s29 =	simm.s32 $0x8;
	s31 =	simm.s32 $0xB;
	s30 =	simm.s32 $0xC;
	[tilespmem:v25+s14+$0x0] =	vst.idx.msk $0xffff, v24;
	v13 =	vadd.s32 v2, v4;
	v10 =	vld [tilespmem:s25+$0xFFFFFFA0]  }
.LBB2_3:
0x3c: {  	p1 =	slt.u32 s30, $0x7C;
	v19 =	vmov s31;
	[tilespmem:v18+s14+$0x0] =	vst.idx.msk $0xffff, v17;
	v17 =	vld [tilespmem:s28+$0xFFFFFFB0];
	v18 =	vadd.s32 v3, v6;
	v6 =	vmov v4;
	s28 =	smov.u32 s25  }
0x3d: {  	v4 =	vmov s29;
	v21 =	vadd.s32 v2, v7;
	s25 =	sadd.s32 $0x100, s25;
	v19 =	vand.u32 $0x7F, v19;
	v20 =	vld [tilespmem:s28+$0xFFFFFFE0];
	[tilespmem:v16+s14+$0x0] =	vst.idx.msk $0xffff, v15  }
0x3e: {  	s0 =	sadd.s32 $0x1, s29;
	v4 =	vand.u32 $0x7C, v4;
	v15 =	vld [tilespmem:s25+$0x40];
	v16 =	vadd.s32 v0, v19;
	[tilespmem:v14+s14+$0x0] =	vst.idx.msk $0xffff, v11  }
0x3f: {  	v22 =	vmov s0;
	s0 =	sadd.s32 $0x2, s29;
	s29 =	smov.u32 s30;
	v14 =	vadd.s32 v0, v4;
	v11 =	vld [tilespmem:s25+$0xFFFFFF80];
	[tilespmem:v12+s14+$0x0] =	vst.idx.msk $0xffff, v9  }
0x40: {  	v9 =	vand.u32 $0x7D, v22;
	v12 =	vmov s0;
	[tilespmem:v13+s14+$0x0] =	vst.idx.msk $0xffff, v10;
	v10 =	vld [tilespmem:s28+$0x70];
	v13 =	vadd.s32 v3, v8;
	v8 =	vmovc v19  }
0x41: {  	v22 =	vadd.s32 v0, v9;
	v12 =	vand.u32 $0x7E, v12;
	v19 =	vld [tilespmem:s25+$0xFFFFFFC0];
	[tilespmem:v18+s14+$0x0] =	vst.idx.msk $0xffff, v17  }
0x42: {  	v24 =	vadd.s32 v0, v12;
	v23 =	vld [tilespmem:s25+$0x0];
	[tilespmem:v21+s14+$0x0] =	vst.idx.msk $0xffff, v20  }
0x43: {  	v21 =	vadd.s32 v2, v5;
	[tilespmem:v16+s14+$0x0] =	vst.idx.msk $0xffff, v15;
	v20 =	vld [tilespmem:s28+$0x20]  }
0x44: {  	[tilespmem:v14+s14+$0x0] =	vst.idx.msk $0xffff, v11;
	v11 =	vld [tilespmem:s25+$0x50];
	v14 =	vadd.s32 v1, v8  }
0x45: {  	v26 =	vadd.s32 v1, v4;
	v25 =	vld [tilespmem:s25+$0xFFFFFF90];
	[tilespmem:v13+s14+$0x0] =	vst.idx.msk $0xffff, v10  }
0x46: {  	[tilespmem:v22+s14+$0x0] =	vst.idx.msk $0xffff, v19;
	v19 =	vld [tilespmem:s28+$0xFFFFFFF0];
	v22 =	vadd.s32 v3, v7;
	v7 =	vmov v9  }
.Ltmp0:
0x47: {  	v17 =	vld [tilespmem:s25+$0xFFFFFFD0];
	v18 =	vadd.s32 v1, v7;
	[tilespmem:v24+s14+$0x0] =	vst.idx.msk $0xffff, v23;
	(pc) =	sbr.rel @p1 .LBB2_3-.Ltmp0, $4  }
0x48: {  	v16 =	vadd.s32 v1, v12;
	v15 =	vld [tilespmem:s25+$0x10];
	[tilespmem:v21+s14+$0x0] =	vst.idx.msk $0xffff, v20  }
0x49: {  	[tilespmem:v14+s14+$0x0] =	vst.idx.msk $0xffff, v11;
	v11 =	vld [tilespmem:s28+$0x30];
	v14 =	vadd.s32 v3, v5;
	v5 =	vmov v12  }
0x4a: {  	v12 =	vadd.s32 v2, v8;
	[tilespmem:v26+s14+$0x0] =	vst.idx.msk $0xffff, v25;
	v9 =	vld [tilespmem:s25+$0x60]  }
0x4b: {  	s30 =	sadd.s32 $0x4, s30;
	s31 =	sadd.s32 $0x3, s29;
	v13 =	vadd.s32 v2, v4;
	v10 =	vld [tilespmem:s25+$0xFFFFFFA0];
	[tilespmem:v22+s14+$0x0] =	vst.idx.msk $0xffff, v19  }
0x4c: {  	_ =	sdelay $0x2  }
0x4d: {  	v19 =	vmov s31  }
0x4e: {  	s0 =	sadd.s32 $0x1, s29;
	[tilespmem:v18+s14+$0x0] =	vst.idx.msk $0xffff, v17;
	v30 =	vld [tilespmem:s28+$0xFFFFFFB0];
	v6 =	vadd.s32 v3, v6;
	s30 =	sadd.s32 $0x100, s25;
	v21 =	vmov s29;
	v31 =	vand.u32 $0x7F, v19  }
0x4f: {  	s31 =	sadd.s32 $0x2, s29;
	v32 =	vmov s0;
	[tilespmem:v16+s14+$0x0] =	vst.idx.msk $0xffff, v15;
	v33 =	vld [tilespmem:s30+$0x40];
	v21 =	vand.u32 $0x7C, v21;
	v34 =	vadd.s32 v0, v31  }
0x50: {  	v20 =	vmov s31;
	v22 =	vld [tilespmem:s30+$0xFFFFFF80];
	v19 =	vand.u32 $0x7D, v32;
	[tilespmem:v14+s14+$0x0] =	vst.idx.msk $0xffff, v11;
	v39 =	vadd.s32 v0, v21  }
0x51: {  	v35 =	vld [tilespmem:s30+$0xFFFFFFC0];
	v20 =	vand.u32 $0x7E, v20;
	v36 =	vadd.s32 v0, v19;
	[tilespmem:v12+s14+$0x0] =	vst.idx.msk $0xffff, v9  }
0x52: {  	v37 =	vld [tilespmem:s30+$0x0];
	v38 =	vadd.s32 v0, v20;
	[tilespmem:v13+s14+$0x0] =	vst.idx.msk $0xffff, v10  }
0x53: {  	v41 =	vadd.s32 v2, v7;
	v40 =	vld [tilespmem:s25+$0xFFFFFFE0];
	[tilespmem:v6+s14+$0x0] =	vst.idx.msk $0xffff, v30  }
0x54: {  	v49 =	vadd.s32 v2, v5;
	v48 =	vld [tilespmem:s25+$0x20];
	[tilespmem:v34+s14+$0x0] =	vst.idx.msk $0xffff, v33  }
0x55: {  	v43 =	vadd.s32 v1, v31;
	[tilespmem:v39+s14+$0x0] =	vst.idx.msk $0xffff, v22;
	v15 =	vld [tilespmem:s30+$0x50]  }
0x56: {  	v47 =	vadd.s32 v1, v21;
	[tilespmem:v36+s14+$0x0] =	vst.idx.msk $0xffff, v35;
	v46 =	vld [tilespmem:s30+$0xFFFFFF90]  }
0x57: {  	v44 =	vadd.s32 v1, v19;
	[tilespmem:v38+s14+$0x0] =	vst.idx.msk $0xffff, v37;
	v11 =	vld [tilespmem:s30+$0xFFFFFFD0]  }
0x58: {  	v45 =	vadd.s32 v1, v20;
	[tilespmem:v41+s14+$0x0] =	vst.idx.msk $0xffff, v40;
	v9 =	vld [tilespmem:s30+$0x10]  }
0x59: {  	v8 =	vadd.s32 v3, v8;
	v42 =	vld [tilespmem:s25+$0x70];
	[tilespmem:v49+s14+$0x0] =	vst.idx.msk $0xffff, v48  }
0x5a: {  	v5 =	vadd.s32 v3, v5;
	v13 =	vld [tilespmem:s25+$0x30];
	[tilespmem:v43+s14+$0x0] =	vst.idx.msk $0xffff, v15  }
0x5b: {  	v52 =	vadd.s32 v2, v31;
	[tilespmem:v47+s14+$0x0] =	vst.idx.msk $0xffff, v46;
	v15 =	vld [tilespmem:s30+$0x60]  }
0x5c: {  	v57 =	vadd.s32 v2, v21;
	[tilespmem:v44+s14+$0x0] =	vst.idx.msk $0xffff, v11;
	v56 =	vld [tilespmem:s30+$0xFFFFFFA0]  }
0x5d: {  	v53 =	vadd.s32 v2, v19;
	[tilespmem:v45+s14+$0x0] =	vst.idx.msk $0xffff, v9;
	v11 =	vld [tilespmem:s30+$0xFFFFFFE0]  }
0x5e: {  	v55 =	vadd.s32 v2, v20;
	[tilespmem:v8+s14+$0x0] =	vst.idx.msk $0xffff, v42;
	v54 =	vld [tilespmem:s30+$0x20]  }
0x5f: {  	v4 =	vadd.s32 v3, v4;
	v58 =	vld [tilespmem:s25+$0xFFFFFFB0];
	[tilespmem:v5+s14+$0x0] =	vst.idx.msk $0xffff, v13  }
0x60: {  	v51 =	vadd.s32 v3, v7;
	v50 =	vld [tilespmem:s25+$0xFFFFFFF0];
	[tilespmem:v52+s14+$0x0] =	vst.idx.msk $0xffff, v15  }
0x61: {  	v60 =	vadd.s32 v3, v31;
	[tilespmem:v57+s14+$0x0] =	vst.idx.msk $0xffff, v56;
	v59 =	vld [tilespmem:s30+$0x70]  }
0x62: {  	v63 =	vadd.s32 v3, v21;
	[tilespmem:v53+s14+$0x0] =	vst.idx.msk $0xffff, v11;
	v5 =	vld [tilespmem:s30+$0xFFFFFFB0]  }
0x63: {  	v61 =	vadd.s32 v3, v19;
	[tilespmem:v55+s14+$0x0] =	vst.idx.msk $0xffff, v54;
	v11 =	vld [tilespmem:s30+$0xFFFFFFF0]  }
0x64: {  	v62 =	vadd.s32 v3, v20;
	[tilespmem:v4+s14+$0x0] =	vst.idx.msk $0xffff, v58;
	v6 =	vld [tilespmem:s30+$0x30]  }
0x65: {  	s29 =	sadd.s32 s5, s26;
	[tilespmem:v51+s14+$0x0] =	vst.idx.msk $0xffff, v50  }
0x66: {  	s30 =	sshll.u32 s29, $0x4;
	[tilespmem:v60+s14+$0x0] =	vst.idx.msk $0xffff, v59  }
0x67: {  	s0 =	sshll.u32 s29, $0xA;
	s25 =	sand.u32 $0x7C0, s30;
	[tilespmem:v63+s14+$0x0] =	vst.idx.msk $0xffff, v5  }
0x68: {  	s0 =	sand.u32 $0xFFE0000, s0;
	s25 =	sadd.s32 s4, s25;
	[tilespmem:v61+s14+$0x0] =	vst.idx.msk $0xffff, v11  }
0x69: {  	s31 =	simm.s32 $0xB400;
	s0 =	sadd.s32 s0, s25;
	s25 =	simm.s32 $0x220;
	[tilespmem:v62+s14+$0x0] =	vst.idx.msk $0xffff, v6  }
0x6a: {  	[hbm4b:s0+s2] =	stream.linear.scatter [tilespmem:s31], [sflag:$0x5], $0x80, $0x38;
	[tilespmem:$0xF800] =	vst v63  }
.LBB2_5:
0x6b: {  	p1 =	sne.s32 s25, $0x85E0  }
.Ltmp1:
0x6c: {  	_ = 	snop;
	(pc) =	sbr.rel @p1 .LBB2_5-.Ltmp1, $4  }
0x6d: {  	_ = 	snop  }
0x6e: {  	s28 =	sshra.s32 s25, $0x2;
	s25 =	sadd.s32 $0x220, s25  }
0x6f: {  	s0 =	sadd.s32 $0x800, s0;
	s28 =	sadd.s32 $0xB400, s28  }
0x70: {  	[hbm4b:s0+s2] =	stream.linear.scatter [tilespmem:s28], [sflag:$0x5], $0x80, $0x38;
	[tilespmem:$0xF800] =	vst v63  }
0x71: {  	_ =	swait.ge [sflag:s15], $0x2000;
	s25 =	sor.u32 $0x3, s26  }
0x72: {  	[sflag:s15] =	ssyncset.done $0x0;
	s0 =	sshll.u32 s25, $0x7  }
0x73: {  	[sflag:s15] =	ssyncadd.s32 $0xFFFFE000;
	s0 =	sand.u32 $0x3FFFFF80, s0  }
0x74: {  	[tilespmem:s16], [sflag:$0x4] =	stream.indirect.gather [hbm4b:s3+s9], $0x40, s0, s9, $0xb8;
	[tilespmem:$0xF800] =	vst v63  }
0x75: {  	s0 =	simm.s32 @!p0 $0x6  }
0x76: {  	_ =	swait.ge @!p0 [sflag:s0], $0x2000  }
0x77: {  	s28 =	simm.s32 $0x3;
	[sflag:s0] =	ssyncset.done @!p0 $0x0  }
0x78: {  	v4 =	vmov s28;
	[sflag:s0] =	ssyncadd.s32 @!p0 $0xFFFFE000;
	s0 =	simm.s32 $0x0  }
0x79: {  	s29 =	simm.s32 $0x54F0;
	v5 =	vand.u32 $0x7F, v4;
	v4 =	vmov s0;
	s0 =	simm.s32 $0x1  }
0x7a: {  	v8 =	vadd.s32 v0, v5;
	v7 =	vld [tilespmem:s29+$0xFFFFFFD0];
	v6 =	vand.u32 $0x7C, v4;
	v4 =	vmov s0  }
0x7b: {  	v9 =	vld [tilespmem:s29+$0xFFFFFF10];
	v10 =	vadd.s32 v0, v6;
	v11 =	vand.u32 $0x7D, v4  }
0x7c: {  	s0 =	simm.s32 $0x2;
	v4 =	vld [tilespmem:s29+$0xFFFFFF50];
	v12 =	vadd.s32 v0, v11  }
0x7d: {  	v13 =	vmov s0  }
0x7e: {  	v13 =	vand.u32 $0x7E, v13  }
0x7f: {  	v14 =	vld [tilespmem:s29+$0xFFFFFF90];
	v15 =	vadd.s32 v0, v13;
	[tilespmem:v8+s17+$0x0] =	vst.idx.msk $0xffff, v7  }
0x80: {  	v8 =	vadd.s32 v1, v5;
	v7 =	vld [tilespmem:s29+$0xFFFFFFE0];
	[tilespmem:v10+s17+$0x0] =	vst.idx.msk $0xffff, v9  }
0x81: {  	v10 =	vadd.s32 v1, v6;
	v9 =	vld [tilespmem:s29+$0xFFFFFF20];
	[tilespmem:v12+s17+$0x0] =	vst.idx.msk $0xffff, v4  }
0x82: {  	v12 =	vadd.s32 v1, v11;
	v4 =	vld [tilespmem:s29+$0xFFFFFF60];
	_ =	sdelay $0x1  }
0x83: {  	[tilespmem:v15+s17+$0x0] =	vst.idx.msk $0xffff, v14  }
0x84: {  	v16 =	vadd.s32 v1, v13;
	v15 =	vld [tilespmem:s29+$0xFFFFFFA0];
	[tilespmem:v8+s17+$0x0] =	vst.idx.msk $0xffff, v7  }
0x85: {  	s0 =	simm.s32 $0x7;
	v14 =	vadd.s32 v2, v5;
	v7 =	vld [tilespmem:s29+$0xFFFFFFF0];
	[tilespmem:v10+s17+$0x0] =	vst.idx.msk $0xffff, v9  }
0x86: {  	s28 =	simm.s32 $0x4;
	v8 =	vmov s0;
	v10 =	vadd.s32 v2, v6;
	v9 =	vld [tilespmem:s29+$0xFFFFFF30];
	[tilespmem:v12+s17+$0x0] =	vst.idx.msk $0xffff, v4  }
0x87: {  	v17 =	vadd.s32 v2, v11;
	v8 =	vand.u32 $0x7F, v8;
	v4 =	vmov s28;
	s28 =	simm.s32 $0x55F0;
	v12 =	vld [tilespmem:s29+$0xFFFFFF70]  }
0x88: {  	s0 =	simm.s32 $0x5;
	v19 =	vadd.s32 v0, v8;
	v18 =	vld [tilespmem:s28+$0xFFFFFFD0]  }
0x89: {  	v22 =	vmov s0;
	s0 =	simm.s32 $0x6;
	v4 =	vand.u32 $0x7C, v4;
	[tilespmem:v16+s17+$0x0] =	vst.idx.msk $0xffff, v15  }
0x8a: {  	v20 =	vld [tilespmem:s28+$0xFFFFFF10];
	v21 =	vadd.s32 v0, v4;
	[tilespmem:v14+s17+$0x0] =	vst.idx.msk $0xffff, v7;
	v7 =	vand.u32 $0x7D, v22;
	v14 =	vmov s0  }
0x8b: {  	v16 =	vadd.s32 v3, v5;
	v5 =	vand.u32 $0x7E, v14;
	[tilespmem:v10+s17+$0x0] =	vst.idx.msk $0xffff, v9;
	v9 =	vld [tilespmem:s28+$0xFFFFFF50];
	v10 =	vadd.s32 v0, v7  }
0x8c: {  	v14 =	vld [tilespmem:s28+$0xFFFFFF90];
	v63 =	vadd.s32 v0, v5;
	[tilespmem:v17+s17+$0x0] =	vst.idx.msk $0xffff, v12  }
0x8d: {  	[tilespmem:v19+s17+$0x0] =	vst.idx.msk $0xffff, v18;
	v12 =	vld [tilespmem:s29+$0xFFFFFFB0];
	v18 =	vadd.s32 v2, v13  }
0x8e: {  	v15 =	vld [tilespmem:s29+$0x0]  }
0x8f: {  	[tilespmem:v21+s17+$0x0] =	vst.idx.msk $0xffff, v20;
	v19 =	vld [tilespmem:s28+$0xFFFFFFE0];
	v20 =	vadd.s32 v1, v8  }
0x90: {  	v23 =	vadd.s32 v1, v4;
	v21 =	vld [tilespmem:s28+$0xFFFFFF20];
	[tilespmem:v10+s17+$0x0] =	vst.idx.msk $0xffff, v9  }
0x91: {  	v25 =	vadd.s32 v3, v11;
	v24 =	vld [tilespmem:s29+$0xFFFFFF80];
	[tilespmem:v63+s17+$0x0] =	vst.idx.msk $0xffff, v14  }
0x92: {  	v17 =	vld [tilespmem:s28+$0xFFFFFF60];
	[tilespmem:v18+s17+$0x0] =	vst.idx.msk $0xffff, v12;
	v18 =	vadd.s32 v1, v7  }
0x93: {  	[tilespmem:v16+s17+$0x0] =	vst.idx.msk $0xffff, v15;
	v16 =	vadd.s32 v1, v5;
	v14 =	vld [tilespmem:s28+$0xFFFFFFA0]  }
0x94: {  	v15 =	vadd.s32 v3, v13;
	[tilespmem:v20+s17+$0x0] =	vst.idx.msk $0xffff, v19;
	v10 =	vld [tilespmem:s29+$0xFFFFFFC0]  }
0x95: {  	s26 =	sor.u32 $0x1, s26;
	v12 =	vadd.s32 v2, v8;
	[tilespmem:v23+s17+$0x0] =	vst.idx.msk $0xffff, v21;
	v9 =	vld [tilespmem:s28+$0xFFFFFFF0]  }
0x96: {  	s30 =	simm.s32 $0x8;
	s31 =	simm.s32 $0xC;
	s0 =	simm.s32 $0xB;
	v13 =	vadd.s32 v2, v4;
	[tilespmem:v25+s17+$0x0] =	vst.idx.msk $0xffff, v24;
	v11 =	vld [tilespmem:s28+$0xFFFFFF30]  }
.LBB2_7:
0x97: {  	p0 =	slt.u32 s31, $0x7C;
	v19 =	vmov s0;
	[tilespmem:v18+s17+$0x0] =	vst.idx.msk $0xffff, v17;
	v17 =	vld [tilespmem:s29+$0xFFFFFF40];
	v18 =	vadd.s32 v3, v6;
	v6 =	vmov v4;
	s29 =	smov.u32 s28  }
0x98: {  	v4 =	vmov s30;
	v21 =	vadd.s32 v2, v7;
	s28 =	sadd.s32 $0x100, s28;
	v19 =	vand.u32 $0x7F, v19;
	v20 =	vld [tilespmem:s29+$0xFFFFFF70];
	[tilespmem:v16+s17+$0x0] =	vst.idx.msk $0xffff, v14  }
0x99: {  	s0 =	sadd.s32 $0x1, s30;
	v4 =	vand.u32 $0x7C, v4;
	v14 =	vld [tilespmem:s28+$0xFFFFFFD0];
	v16 =	vadd.s32 v0, v19;
	[tilespmem:v15+s17+$0x0] =	vst.idx.msk $0xffff, v10  }
0x9a: {  	v22 =	vmov s0;
	s0 =	sadd.s32 $0x2, s30;
	s30 =	smov.u32 s31;
	v15 =	vadd.s32 v0, v4;
	v10 =	vld [tilespmem:s28+$0xFFFFFF10];
	[tilespmem:v12+s17+$0x0] =	vst.idx.msk $0xffff, v9  }
0x9b: {  	v9 =	vand.u32 $0x7D, v22;
	v12 =	vmov s0;
	[tilespmem:v13+s17+$0x0] =	vst.idx.msk $0xffff, v11;
	v11 =	vld [tilespmem:s29+$0x0];
	v13 =	vadd.s32 v3, v8;
	v8 =	vmovc v19  }
0x9c: {  	v22 =	vadd.s32 v0, v9;
	v12 =	vand.u32 $0x7E, v12;
	v19 =	vld [tilespmem:s28+$0xFFFFFF50];
	[tilespmem:v18+s17+$0x0] =	vst.idx.msk $0xffff, v17  }
0x9d: {  	v24 =	vadd.s32 v0, v12;
	v23 =	vld [tilespmem:s28+$0xFFFFFF90];
	[tilespmem:v21+s17+$0x0] =	vst.idx.msk $0xffff, v20  }
0x9e: {  	v21 =	vadd.s32 v2, v5;
	[tilespmem:v16+s17+$0x0] =	vst.idx.msk $0xffff, v14;
	v20 =	vld [tilespmem:s29+$0xFFFFFFB0]  }
0x9f: {  	[tilespmem:v15+s17+$0x0] =	vst.idx.msk $0xffff, v10;
	v10 =	vld [tilespmem:s28+$0xFFFFFFE0];
	v15 =	vadd.s32 v1, v8  }
0xa0: {  	v26 =	vadd.s32 v1, v4;
	v25 =	vld [tilespmem:s28+$0xFFFFFF20];
	[tilespmem:v13+s17+$0x0] =	vst.idx.msk $0xffff, v11  }
0xa1: {  	[tilespmem:v22+s17+$0x0] =	vst.idx.msk $0xffff, v19;
	v19 =	vld [tilespmem:s29+$0xFFFFFF80];
	v22 =	vadd.s32 v3, v7;
	v7 =	vmov v9  }
.Ltmp2:
0xa2: {  	v17 =	vld [tilespmem:s28+$0xFFFFFF60];
	v18 =	vadd.s32 v1, v7;
	[tilespmem:v24+s17+$0x0] =	vst.idx.msk $0xffff, v23;
	(pc) =	sbr.rel @p0 .LBB2_7-.Ltmp2, $4  }
0xa3: {  	v16 =	vadd.s32 v1, v12;
	v14 =	vld [tilespmem:s28+$0xFFFFFFA0];
	[tilespmem:v21+s17+$0x0] =	vst.idx.msk $0xffff, v20  }
0xa4: {  	[tilespmem:v15+s17+$0x0] =	vst.idx.msk $0xffff, v10;
	v10 =	vld [tilespmem:s29+$0xFFFFFFC0];
	v15 =	vadd.s32 v3, v5;
	v5 =	vmov v12  }
0xa5: {  	v12 =	vadd.s32 v2, v8;
	[tilespmem:v26+s17+$0x0] =	vst.idx.msk $0xffff, v25;
	v9 =	vld [tilespmem:s28+$0xFFFFFFF0]  }
0xa6: {  	s31 =	sadd.s32 $0x4, s31;
	s0 =	sadd.s32 $0x3, s30;
	v13 =	vadd.s32 v2, v4;
	v11 =	vld [tilespmem:s28+$0xFFFFFF30];
	[tilespmem:v22+s17+$0x0] =	vst.idx.msk $0xffff, v19  }
0xa7: {  	_ =	sdelay $0x2  }
0xa8: {  	v19 =	vmov s0  }
0xa9: {  	s31 =	sadd.s32 $0x1, s30;
	[tilespmem:v18+s17+$0x0] =	vst.idx.msk $0xffff, v17;
	v30 =	vld [tilespmem:s29+$0xFFFFFF40];
	v6 =	vadd.s32 v3, v6;
	s29 =	sadd.s32 $0x100, s28;
	v21 =	vmov s30;
	v31 =	vand.u32 $0x7F, v19  }
0xaa: {  	v32 =	vmov s31;
	s31 =	sadd.s32 $0x2, s30;
	[tilespmem:v16+s17+$0x0] =	vst.idx.msk $0xffff, v14;
	v33 =	vld [tilespmem:s29+$0xFFFFFFD0];
	v21 =	vand.u32 $0x7C, v21;
	v34 =	vadd.s32 v0, v31  }
0xab: {  	v22 =	vld [tilespmem:s29+$0xFFFFFF10];
	v19 =	vand.u32 $0x7D, v32;
	v20 =	vmov s31;
	[tilespmem:v15+s17+$0x0] =	vst.idx.msk $0xffff, v10;
	v39 =	vadd.s32 v0, v21  }
0xac: {  	v35 =	vld [tilespmem:s29+$0xFFFFFF50];
	v36 =	vadd.s32 v0, v19;
	v20 =	vand.u32 $0x7E, v20;
	[tilespmem:v12+s17+$0x0] =	vst.idx.msk $0xffff, v9  }
0xad: {  	v37 =	vld [tilespmem:s29+$0xFFFFFF90];
	v38 =	vadd.s32 v0, v20;
	[tilespmem:v13+s17+$0x0] =	vst.idx.msk $0xffff, v11  }
0xae: {  	v41 =	vadd.s32 v2, v7;
	v40 =	vld [tilespmem:s28+$0xFFFFFF70];
	[tilespmem:v6+s17+$0x0] =	vst.idx.msk $0xffff, v30  }
0xaf: {  	v49 =	vadd.s32 v2, v5;
	v48 =	vld [tilespmem:s28+$0xFFFFFFB0];
	[tilespmem:v34+s17+$0x0] =	vst.idx.msk $0xffff, v33  }
0xb0: {  	v43 =	vadd.s32 v1, v31;
	[tilespmem:v39+s17+$0x0] =	vst.idx.msk $0xffff, v22;
	v14 =	vld [tilespmem:s29+$0xFFFFFFE0]  }
0xb1: {  	v47 =	vadd.s32 v1, v21;
	[tilespmem:v36+s17+$0x0] =	vst.idx.msk $0xffff, v35;
	v46 =	vld [tilespmem:s29+$0xFFFFFF20]  }
0xb2: {  	v44 =	vadd.s32 v1, v19;
	v10 =	vld [tilespmem:s29+$0xFFFFFF60];
	[tilespmem:v38+s17+$0x0] =	vst.idx.msk $0xffff, v37  }
0xb3: {  	v45 =	vadd.s32 v1, v20;
	[tilespmem:v41+s17+$0x0] =	vst.idx.msk $0xffff, v40;
	v9 =	vld [tilespmem:s29+$0xFFFFFFA0]  }
0xb4: {  	v8 =	vadd.s32 v3, v8;
	v42 =	vld [tilespmem:s28+$0x0];
	[tilespmem:v49+s17+$0x0] =	vst.idx.msk $0xffff, v48  }
0xb5: {  	v5 =	vadd.s32 v3, v5;
	v13 =	vld [tilespmem:s28+$0xFFFFFFC0];
	[tilespmem:v43+s17+$0x0] =	vst.idx.msk $0xffff, v14  }
0xb6: {  	v52 =	vadd.s32 v2, v31;
	[tilespmem:v47+s17+$0x0] =	vst.idx.msk $0xffff, v46;
	v14 =	vld [tilespmem:s29+$0xFFFFFFF0]  }
0xb7: {  	v57 =	vadd.s32 v2, v21;
	[tilespmem:v44+s17+$0x0] =	vst.idx.msk $0xffff, v10;
	v56 =	vld [tilespmem:s29+$0xFFFFFF30]  }
0xb8: {  	v53 =	vadd.s32 v2, v19;
	v10 =	vld [tilespmem:s29+$0xFFFFFF70];
	[tilespmem:v45+s17+$0x0] =	vst.idx.msk $0xffff, v9  }
0xb9: {  	v55 =	vadd.s32 v2, v20;
	[tilespmem:v8+s17+$0x0] =	vst.idx.msk $0xffff, v42;
	v54 =	vld [tilespmem:s29+$0xFFFFFFB0]  }
0xba: {  	v4 =	vadd.s32 v3, v4;
	v58 =	vld [tilespmem:s28+$0xFFFFFF40];
	[tilespmem:v5+s17+$0x0] =	vst.idx.msk $0xffff, v13  }
0xbb: {  	v51 =	vadd.s32 v3, v7;
	v50 =	vld [tilespmem:s28+$0xFFFFFF80];
	[tilespmem:v52+s17+$0x0] =	vst.idx.msk $0xffff, v14  }
0xbc: {  	v60 =	vadd.s32 v3, v31;
	[tilespmem:v57+s17+$0x0] =	vst.idx.msk $0xffff, v56;
	v59 =	vld [tilespmem:s29+$0x0]  }
0xbd: {  	v63 =	vadd.s32 v3, v21;
	[tilespmem:v53+s17+$0x0] =	vst.idx.msk $0xffff, v10;
	v5 =	vld [tilespmem:s29+$0xFFFFFF40]  }
0xbe: {  	v61 =	vadd.s32 v3, v19;
	v10 =	vld [tilespmem:s29+$0xFFFFFF80];
	[tilespmem:v55+s17+$0x0] =	vst.idx.msk $0xffff, v54  }
0xbf: {  	v62 =	vadd.s32 v3, v20;
	[tilespmem:v4+s17+$0x0] =	vst.idx.msk $0xffff, v58;
	v6 =	vld [tilespmem:s29+$0xFFFFFFC0]  }
0xc0: {  	s30 =	sadd.s32 s5, s26;
	[tilespmem:v51+s17+$0x0] =	vst.idx.msk $0xffff, v50  }
0xc1: {  	s26 =	sshll.u32 s30, $0x4;
	[tilespmem:v60+s17+$0x0] =	vst.idx.msk $0xffff, v59  }
0xc2: {  	s0 =	sshll.u32 s30, $0xA;
	s26 =	sand.u32 $0x7D0, s26;
	[tilespmem:v63+s17+$0x0] =	vst.idx.msk $0xffff, v5  }
0xc3: {  	s0 =	sand.u32 $0xFFE0000, s0;
	s26 =	sadd.s32 s4, s26;
	[tilespmem:v61+s17+$0x0] =	vst.idx.msk $0xffff, v10  }
0xc4: {  	s31 =	simm.s32 $0xD600;
	s0 =	sadd.s32 s0, s26;
	s26 =	simm.s32 $0x220;
	[tilespmem:v62+s17+$0x0] =	vst.idx.msk $0xffff, v6  }
0xc5: {  	[hbm4b:s0+s2] =	stream.linear.scatter [tilespmem:s31], [sflag:$0x6], $0x80, $0x38;
	[tilespmem:$0xF800] =	vst v63  }
.LBB2_9:
0xc6: {  	p0 =	sne.s32 s26, $0x85E0  }
.Ltmp3:
0xc7: {  	_ = 	snop;
	(pc) =	sbr.rel @p0 .LBB2_9-.Ltmp3, $4  }
0xc8: {  	_ = 	snop  }
0xc9: {  	s28 =	sshra.s32 s26, $0x2;
	s26 =	sadd.s32 $0x220, s26  }
0xca: {  	s0 =	sadd.s32 $0x800, s0;
	s28 =	sadd.s32 $0xD600, s28  }
0xcb: {  	[hbm4b:s0+s2] =	stream.linear.scatter [tilespmem:s28], [sflag:$0x6], $0x80, $0x38;
	[tilespmem:$0xF800] =	vst v63  }
0xcc: {  	p0 =	seq.s32 s23, $0x19  }
0xcd: {  	_ =	swait.ge [sflag:s18], $0x2000;
	s0 =	sshll.u32 @!p0 s23, $0x9  }
0xce: {  	[sflag:s18] =	ssyncset.done $0x0;
	s28 =	simm.s32 @!p0 $0x80;
	s26 =	sand.u32 @!p0 $0x3FFFFE00, s0  }
0xcf: {  	s29 =	simm.s32 @!p0 $0x3400;
	[sflag:s18] =	ssyncadd.s32 $0xFFFFE000;
	s0 =	sadd.s32 @!p0 $0x200, s26  }
0xd0: {  	[tilespmem:s29], [sflag:$0x1] =	stream.indirect.gather @!p0 [hbm4b:s3+s28], $0x40, s0, s28, $0xb8;
	[tilespmem:$0xF800] =	vst v63  }
0xd1: {  	s0 =	simm.s32 $0x3;
	_ =	swait.ge [sflag:s19], $0x2000  }
0xd2: {  	v4 =	vmov s0;
	s0 =	simm.s32 $0x0;
	[sflag:s19] =	ssyncset.done $0x0  }
0xd3: {  	s29 =	simm.s32 $0x74F0;
	v5 =	vand.u32 $0x7F, v4;
	v4 =	vmov s0;
	s0 =	simm.s32 $0x1;
	[sflag:s19] =	ssyncadd.s32 $0xFFFFE000  }
0xd4: {  	v8 =	vadd.s32 v0, v5;
	v6 =	vand.u32 $0x7C, v4;
	v4 =	vmov s0;
	v7 =	vld [tilespmem:s29+$0xFFFFFFD0]  }
0xd5: {  	v9 =	vld [tilespmem:s29+$0xFFFFFF10];
	v10 =	vadd.s32 v0, v6;
	v11 =	vand.u32 $0x7D, v4  }
0xd6: {  	s0 =	simm.s32 $0x2;
	v4 =	vld [tilespmem:s29+$0xFFFFFF50];
	v12 =	vadd.s32 v0, v11  }
0xd7: {  	v13 =	vmov s0  }
0xd8: {  	v13 =	vand.u32 $0x7E, v13  }
0xd9: {  	v14 =	vld [tilespmem:s29+$0xFFFFFF90];
	v15 =	vadd.s32 v0, v13;
	[tilespmem:v8+s14+$0x0] =	vst.idx.msk $0xffff, v7  }
0xda: {  	v8 =	vadd.s32 v1, v5;
	[tilespmem:v10+s14+$0x0] =	vst.idx.msk $0xffff, v9;
	v7 =	vld [tilespmem:s29+$0xFFFFFFE0]  }
0xdb: {  	v10 =	vadd.s32 v1, v6;
	v9 =	vld [tilespmem:s29+$0xFFFFFF20];
	[tilespmem:v12+s14+$0x0] =	vst.idx.msk $0xffff, v4  }
0xdc: {  	v12 =	vadd.s32 v1, v11;
	v4 =	vld [tilespmem:s29+$0xFFFFFF60];
	_ =	sdelay $0x1  }
0xdd: {  	[tilespmem:v15+s14+$0x0] =	vst.idx.msk $0xffff, v14  }
0xde: {  	v16 =	vadd.s32 v1, v13;
	v15 =	vld [tilespmem:s29+$0xFFFFFFA0];
	[tilespmem:v8+s14+$0x0] =	vst.idx.msk $0xffff, v7  }
0xdf: {  	s0 =	simm.s32 $0x7;
	v14 =	vadd.s32 v2, v5;
	[tilespmem:v10+s14+$0x0] =	vst.idx.msk $0xffff, v9;
	v7 =	vld [tilespmem:s29+$0xFFFFFFF0]  }
0xe0: {  	s28 =	simm.s32 $0x4;
	v10 =	vadd.s32 v2, v6;
	v8 =	vmov s0;
	v9 =	vld [tilespmem:s29+$0xFFFFFF30];
	[tilespmem:v12+s14+$0x0] =	vst.idx.msk $0xffff, v4  }
0xe1: {  	v17 =	vadd.s32 v2, v11;
	v4 =	vmov s28;
	v8 =	vand.u32 $0x7F, v8;
	s28 =	simm.s32 $0x75F0;
	v12 =	vld [tilespmem:s29+$0xFFFFFF70]  }
0xe2: {  	v18 =	vld [tilespmem:s28+$0xFFFFFFD0];
	v19 =	vadd.s32 v0, v8  }
0xe3: {  	s0 =	simm.s32 $0x5;
	[tilespmem:v16+s14+$0x0] =	vst.idx.msk $0xffff, v15  }
0xe4: {  	v22 =	vmov s0;
	v4 =	vand.u32 $0x7C, v4;
	[tilespmem:v14+s14+$0x0] =	vst.idx.msk $0xffff, v7  }
0xe5: {  	s0 =	simm.s32 $0x6;
	v20 =	vld [tilespmem:s28+$0xFFFFFF10];
	v21 =	vadd.s32 v0, v4;
	v7 =	vand.u32 $0x7D, v22;
	[tilespmem:v10+s14+$0x0] =	vst.idx.msk $0xffff, v9  }
0xe6: {  	v14 =	vmov s0;
	v9 =	vld [tilespmem:s28+$0xFFFFFF50];
	v10 =	vadd.s32 v0, v7;
	[tilespmem:v17+s14+$0x0] =	vst.idx.msk $0xffff, v12  }
0xe7: {  	v16 =	vadd.s32 v3, v5;
	v5 =	vand.u32 $0x7E, v14;
	[tilespmem:v19+s14+$0x0] =	vst.idx.msk $0xffff, v18;
	v12 =	vld [tilespmem:s29+$0xFFFFFFB0];
	v18 =	vadd.s32 v2, v13  }
0xe8: {  	v14 =	vld [tilespmem:s28+$0xFFFFFF90];
	v63 =	vadd.s32 v0, v5  }
0xe9: {  	v15 =	vld [tilespmem:s29+$0x0]  }
0xea: {  	[tilespmem:v21+s14+$0x0] =	vst.idx.msk $0xffff, v20;
	v19 =	vld [tilespmem:s28+$0xFFFFFFE0];
	v20 =	vadd.s32 v1, v8  }
0xeb: {  	v23 =	vadd.s32 v1, v4;
	v21 =	vld [tilespmem:s28+$0xFFFFFF20];
	[tilespmem:v10+s14+$0x0] =	vst.idx.msk $0xffff, v9  }
0xec: {  	v25 =	vadd.s32 v3, v11;
	v24 =	vld [tilespmem:s29+$0xFFFFFF80];
	[tilespmem:v18+s14+$0x0] =	vst.idx.msk $0xffff, v12  }
0xed: {  	v18 =	vadd.s32 v1, v7;
	v17 =	vld [tilespmem:s28+$0xFFFFFF60];
	[tilespmem:v63+s14+$0x0] =	vst.idx.msk $0xffff, v14  }
0xee: {  	[tilespmem:v16+s14+$0x0] =	vst.idx.msk $0xffff, v15;
	v16 =	vadd.s32 v1, v5;
	v15 =	vld [tilespmem:s28+$0xFFFFFFA0]  }
0xef: {  	[tilespmem:v20+s14+$0x0] =	vst.idx.msk $0xffff, v19;
	v11 =	vld [tilespmem:s29+$0xFFFFFFC0];
	v14 =	vadd.s32 v3, v13  }
0xf0: {  	v12 =	vadd.s32 v2, v8;
	[tilespmem:v23+s14+$0x0] =	vst.idx.msk $0xffff, v21;
	v9 =	vld [tilespmem:s28+$0xFFFFFFF0]  }
0xf1: {  	s30 =	simm.s32 $0x8;
	s31 =	simm.s32 $0xC;
	s0 =	simm.s32 $0xB;
	v13 =	vadd.s32 v2, v4;
	[tilespmem:v25+s14+$0x0] =	vst.idx.msk $0xffff, v24;
	v10 =	vld [tilespmem:s28+$0xFFFFFF30]  }
.LBB2_11:
0xf2: {  	p1 =	slt.u32 s31, $0x7C;
	v19 =	vmov s0;
	[tilespmem:v18+s14+$0x0] =	vst.idx.msk $0xffff, v17;
	v17 =	vld [tilespmem:s29+$0xFFFFFF40];
	v18 =	vadd.s32 v3, v6;
	v6 =	vmov v4;
	s29 =	smov.u32 s28  }
0xf3: {  	v4 =	vmov s30;
	v21 =	vadd.s32 v2, v7;
	s28 =	sadd.s32 $0x100, s28;
	v19 =	vand.u32 $0x7F, v19;
	v20 =	vld [tilespmem:s29+$0xFFFFFF70];
	[tilespmem:v16+s14+$0x0] =	vst.idx.msk $0xffff, v15  }
0xf4: {  	s0 =	sadd.s32 $0x1, s30;
	v4 =	vand.u32 $0x7C, v4;
	v15 =	vld [tilespmem:s28+$0xFFFFFFD0];
	v16 =	vadd.s32 v0, v19;
	[tilespmem:v14+s14+$0x0] =	vst.idx.msk $0xffff, v11  }
0xf5: {  	v22 =	vmov s0;
	s0 =	sadd.s32 $0x2, s30;
	s30 =	smov.u32 s31;
	v14 =	vadd.s32 v0, v4;
	v11 =	vld [tilespmem:s28+$0xFFFFFF10];
	[tilespmem:v12+s14+$0x0] =	vst.idx.msk $0xffff, v9  }
0xf6: {  	v9 =	vand.u32 $0x7D, v22;
	v12 =	vmov s0;
	[tilespmem:v13+s14+$0x0] =	vst.idx.msk $0xffff, v10;
	v10 =	vld [tilespmem:s29+$0x0];
	v13 =	vadd.s32 v3, v8;
	v8 =	vmovc v19  }
0xf7: {  	v22 =	vadd.s32 v0, v9;
	v12 =	vand.u32 $0x7E, v12;
	v19 =	vld [tilespmem:s28+$0xFFFFFF50];
	[tilespmem:v18+s14+$0x0] =	vst.idx.msk $0xffff, v17  }
0xf8: {  	v24 =	vadd.s32 v0, v12;
	v23 =	vld [tilespmem:s28+$0xFFFFFF90];
	[tilespmem:v21+s14+$0x0] =	vst.idx.msk $0xffff, v20  }
0xf9: {  	v21 =	vadd.s32 v2, v5;
	[tilespmem:v16+s14+$0x0] =	vst.idx.msk $0xffff, v15;
	v20 =	vld [tilespmem:s29+$0xFFFFFFB0]  }
0xfa: {  	[tilespmem:v14+s14+$0x0] =	vst.idx.msk $0xffff, v11;
	v11 =	vld [tilespmem:s28+$0xFFFFFFE0];
	v14 =	vadd.s32 v1, v8  }
0xfb: {  	v26 =	vadd.s32 v1, v4;
	v25 =	vld [tilespmem:s28+$0xFFFFFF20];
	[tilespmem:v13+s14+$0x0] =	vst.idx.msk $0xffff, v10  }
0xfc: {  	[tilespmem:v22+s14+$0x0] =	vst.idx.msk $0xffff, v19;
	v19 =	vld [tilespmem:s29+$0xFFFFFF80];
	v22 =	vadd.s32 v3, v7;
	v7 =	vmov v9  }
.Ltmp4:
0xfd: {  	v17 =	vld [tilespmem:s28+$0xFFFFFF60];
	v18 =	vadd.s32 v1, v7;
	[tilespmem:v24+s14+$0x0] =	vst.idx.msk $0xffff, v23;
	(pc) =	sbr.rel @p1 .LBB2_11-.Ltmp4, $4  }
0xfe: {  	v16 =	vadd.s32 v1, v12;
	v15 =	vld [tilespmem:s28+$0xFFFFFFA0];
	[tilespmem:v21+s14+$0x0] =	vst.idx.msk $0xffff, v20  }
0xff: {  	[tilespmem:v14+s14+$0x0] =	vst.idx.msk $0xffff, v11;
	v11 =	vld [tilespmem:s29+$0xFFFFFFC0];
	v14 =	vadd.s32 v3, v5;
	v5 =	vmov v12  }
0x100: {  	v12 =	vadd.s32 v2, v8;
	[tilespmem:v26+s14+$0x0] =	vst.idx.msk $0xffff, v25;
	v9 =	vld [tilespmem:s28+$0xFFFFFFF0]  }
0x101: {  	s31 =	sadd.s32 $0x4, s31;
	s0 =	sadd.s32 $0x3, s30;
	v13 =	vadd.s32 v2, v4;
	v10 =	vld [tilespmem:s28+$0xFFFFFF30];
	[tilespmem:v22+s14+$0x0] =	vst.idx.msk $0xffff, v19  }
0x102: {  	_ =	sdelay $0x2  }
0x103: {  	v19 =	vmov s0  }
0x104: {  	s31 =	sadd.s32 $0x1, s30;
	[tilespmem:v18+s14+$0x0] =	vst.idx.msk $0xffff, v17;
	v30 =	vld [tilespmem:s29+$0xFFFFFF40];
	v6 =	vadd.s32 v3, v6;
	s29 =	sadd.s32 $0x100, s28;
	v21 =	vmov s30;
	v31 =	vand.u32 $0x7F, v19  }
0x105: {  	v32 =	vmov s31;
	s31 =	sadd.s32 $0x2, s30;
	[tilespmem:v16+s14+$0x0] =	vst.idx.msk $0xffff, v15;
	v33 =	vld [tilespmem:s29+$0xFFFFFFD0];
	v21 =	vand.u32 $0x7C, v21;
	v34 =	vadd.s32 v0, v31  }
0x106: {  	v22 =	vld [tilespmem:s29+$0xFFFFFF10];
	v19 =	vand.u32 $0x7D, v32;
	v20 =	vmov s31;
	[tilespmem:v14+s14+$0x0] =	vst.idx.msk $0xffff, v11;
	v39 =	vadd.s32 v0, v21  }
0x107: {  	v35 =	vld [tilespmem:s29+$0xFFFFFF50];
	v36 =	vadd.s32 v0, v19;
	v20 =	vand.u32 $0x7E, v20;
	[tilespmem:v12+s14+$0x0] =	vst.idx.msk $0xffff, v9  }
0x108: {  	v37 =	vld [tilespmem:s29+$0xFFFFFF90];
	v38 =	vadd.s32 v0, v20;
	[tilespmem:v13+s14+$0x0] =	vst.idx.msk $0xffff, v10  }
0x109: {  	v41 =	vadd.s32 v2, v7;
	v40 =	vld [tilespmem:s28+$0xFFFFFF70];
	[tilespmem:v6+s14+$0x0] =	vst.idx.msk $0xffff, v30  }
0x10a: {  	v49 =	vadd.s32 v2, v5;
	v48 =	vld [tilespmem:s28+$0xFFFFFFB0];
	[tilespmem:v34+s14+$0x0] =	vst.idx.msk $0xffff, v33  }
0x10b: {  	v43 =	vadd.s32 v1, v31;
	[tilespmem:v39+s14+$0x0] =	vst.idx.msk $0xffff, v22;
	v15 =	vld [tilespmem:s29+$0xFFFFFFE0]  }
0x10c: {  	v47 =	vadd.s32 v1, v21;
	[tilespmem:v36+s14+$0x0] =	vst.idx.msk $0xffff, v35;
	v46 =	vld [tilespmem:s29+$0xFFFFFF20]  }
0x10d: {  	v44 =	vadd.s32 v1, v19;
	v11 =	vld [tilespmem:s29+$0xFFFFFF60];
	[tilespmem:v38+s14+$0x0] =	vst.idx.msk $0xffff, v37  }
0x10e: {  	v45 =	vadd.s32 v1, v20;
	[tilespmem:v41+s14+$0x0] =	vst.idx.msk $0xffff, v40;
	v9 =	vld [tilespmem:s29+$0xFFFFFFA0]  }
0x10f: {  	v8 =	vadd.s32 v3, v8;
	v42 =	vld [tilespmem:s28+$0x0];
	[tilespmem:v49+s14+$0x0] =	vst.idx.msk $0xffff, v48  }
0x110: {  	v5 =	vadd.s32 v3, v5;
	v13 =	vld [tilespmem:s28+$0xFFFFFFC0];
	[tilespmem:v43+s14+$0x0] =	vst.idx.msk $0xffff, v15  }
0x111: {  	v52 =	vadd.s32 v2, v31;
	[tilespmem:v47+s14+$0x0] =	vst.idx.msk $0xffff, v46;
	v15 =	vld [tilespmem:s29+$0xFFFFFFF0]  }
0x112: {  	v57 =	vadd.s32 v2, v21;
	[tilespmem:v44+s14+$0x0] =	vst.idx.msk $0xffff, v11;
	v56 =	vld [tilespmem:s29+$0xFFFFFF30]  }
0x113: {  	v53 =	vadd.s32 v2, v19;
	v11 =	vld [tilespmem:s29+$0xFFFFFF70];
	[tilespmem:v45+s14+$0x0] =	vst.idx.msk $0xffff, v9  }
0x114: {  	v55 =	vadd.s32 v2, v20;
	[tilespmem:v8+s14+$0x0] =	vst.idx.msk $0xffff, v42;
	v54 =	vld [tilespmem:s29+$0xFFFFFFB0]  }
0x115: {  	v4 =	vadd.s32 v3, v4;
	v58 =	vld [tilespmem:s28+$0xFFFFFF40];
	[tilespmem:v5+s14+$0x0] =	vst.idx.msk $0xffff, v13  }
0x116: {  	v51 =	vadd.s32 v3, v7;
	v50 =	vld [tilespmem:s28+$0xFFFFFF80];
	[tilespmem:v52+s14+$0x0] =	vst.idx.msk $0xffff, v15  }
0x117: {  	v60 =	vadd.s32 v3, v31;
	[tilespmem:v57+s14+$0x0] =	vst.idx.msk $0xffff, v56;
	v59 =	vld [tilespmem:s29+$0x0]  }
0x118: {  	v63 =	vadd.s32 v3, v21;
	[tilespmem:v53+s14+$0x0] =	vst.idx.msk $0xffff, v11;
	v5 =	vld [tilespmem:s29+$0xFFFFFF40]  }
0x119: {  	v61 =	vadd.s32 v3, v19;
	v11 =	vld [tilespmem:s29+$0xFFFFFF80];
	[tilespmem:v55+s14+$0x0] =	vst.idx.msk $0xffff, v54  }
0x11a: {  	v62 =	vadd.s32 v3, v20;
	[tilespmem:v4+s14+$0x0] =	vst.idx.msk $0xffff, v58;
	v6 =	vld [tilespmem:s29+$0xFFFFFFC0]  }
0x11b: {  	s30 =	sadd.s32 s5, s24;
	[tilespmem:v51+s14+$0x0] =	vst.idx.msk $0xffff, v50  }
0x11c: {  	s24 =	sshll.u32 s30, $0x4;
	[tilespmem:v60+s14+$0x0] =	vst.idx.msk $0xffff, v59  }
0x11d: {  	s0 =	sshll.u32 s30, $0xA;
	s24 =	sand.u32 $0x7E0, s24;
	[tilespmem:v63+s14+$0x0] =	vst.idx.msk $0xffff, v5  }
0x11e: {  	s0 =	sand.u32 $0xFFE0000, s0;
	s24 =	sadd.s32 s4, s24;
	[tilespmem:v61+s14+$0x0] =	vst.idx.msk $0xffff, v11  }
0x11f: {  	s31 =	simm.s32 $0xB400;
	s0 =	sadd.s32 s0, s24;
	s24 =	simm.s32 $0x220;
	[tilespmem:v62+s14+$0x0] =	vst.idx.msk $0xffff, v6  }
0x120: {  	[hbm4b:s0+s2] =	stream.linear.scatter [tilespmem:s31], [sflag:$0x5], $0x80, $0x38;
	[tilespmem:$0xF800] =	vst v63  }
.LBB2_13:
0x121: {  	p1 =	sne.s32 s24, $0x85E0  }
.Ltmp5:
0x122: {  	_ = 	snop;
	(pc) =	sbr.rel @p1 .LBB2_13-.Ltmp5, $4  }
0x123: {  	_ = 	snop  }
0x124: {  	s28 =	sshra.s32 s24, $0x2;
	s24 =	sadd.s32 $0x220, s24  }
0x125: {  	s0 =	sadd.s32 $0x800, s0;
	s28 =	sadd.s32 $0xB400, s28  }
0x126: {  	[hbm4b:s0+s2] =	stream.linear.scatter [tilespmem:s28], [sflag:$0x5], $0x80, $0x38;
	[tilespmem:$0xF800] =	vst v63  }
0x127: {  	_ =	swait.ge [sflag:s20], $0x2000  }
0x128: {  	s0 =	sadd.s32 @!p0 $0x280, s26;
	[sflag:s20] =	ssyncset.done $0x0  }
0x129: {  	s24 =	simm.s32 @!p0 $0x80;
	s26 =	simm.s32 @!p0 $0x5400;
	[sflag:s20] =	ssyncadd.s32 $0xFFFFE000  }
0x12a: {  	[tilespmem:s26], [sflag:$0x2] =	stream.indirect.gather @!p0 [hbm4b:s3+s24], $0x40, s0, s24, $0xb8;
	[tilespmem:$0xF800] =	vst v63  }
0x12b: {  	s26 =	simm.s32 $0x3;
	_ =	swait.ge [sflag:s21], $0x2000  }
0x12c: {  	s30 =	simm.s32 $0x0;
	v4 =	vmov s26;
	[sflag:s21] =	ssyncset.done $0x0  }
0x12d: {  	s31 =	simm.s32 $0x1;
	s26 =	simm.s32 $0x94F0;
	v5 =	vand.u32 $0x7F, v4;
	v4 =	vmov s30;
	[sflag:s21] =	ssyncadd.s32 $0xFFFFE000  }
0x12e: {  	v8 =	vadd.s32 v0, v5;
	v6 =	vand.u32 $0x7C, v4;
	v4 =	vmov s31;
	v7 =	vld [tilespmem:s26+$0xFFFFFFD0]  }
0x12f: {  	v9 =	vld [tilespmem:s26+$0xFFFFFF10];
	v10 =	vadd.s32 v0, v6;
	v11 =	vand.u32 $0x7D, v4  }
0x130: {  	s24 =	simm.s32 $0x2;
	v4 =	vld [tilespmem:s26+$0xFFFFFF50];
	v12 =	vadd.s32 v0, v11  }
0x131: {  	v13 =	vmov s24  }
0x132: {  	v13 =	vand.u32 $0x7E, v13  }
0x133: {  	v15 =	vadd.s32 v0, v13;
	v14 =	vld [tilespmem:s26+$0xFFFFFF90];
	[tilespmem:v8+s17+$0x0] =	vst.idx.msk $0xffff, v7  }
0x134: {  	v8 =	vadd.s32 v1, v5;
	[tilespmem:v10+s17+$0x0] =	vst.idx.msk $0xffff, v9;
	v7 =	vld [tilespmem:s26+$0xFFFFFFE0]  }
0x135: {  	v10 =	vadd.s32 v1, v6;
	v9 =	vld [tilespmem:s26+$0xFFFFFF20];
	[tilespmem:v12+s17+$0x0] =	vst.idx.msk $0xffff, v4  }
0x136: {  	v12 =	vadd.s32 v1, v11;
	v4 =	vld [tilespmem:s26+$0xFFFFFF60];
	_ =	sdelay $0x1  }
0x137: {  	[tilespmem:v15+s17+$0x0] =	vst.idx.msk $0xffff, v14  }
0x138: {  	v16 =	vadd.s32 v1, v13;
	v15 =	vld [tilespmem:s26+$0xFFFFFFA0];
	[tilespmem:v8+s17+$0x0] =	vst.idx.msk $0xffff, v7  }
0x139: {  	s30 =	simm.s32 $0x7;
	v14 =	vadd.s32 v2, v5;
	[tilespmem:v10+s17+$0x0] =	vst.idx.msk $0xffff, v9;
	v7 =	vld [tilespmem:s26+$0xFFFFFFF0]  }
0x13a: {  	v10 =	vadd.s32 v2, v6;
	v8 =	vmov s30;
	v9 =	vld [tilespmem:s26+$0xFFFFFF30];
	[tilespmem:v12+s17+$0x0] =	vst.idx.msk $0xffff, v4  }
0x13b: {  	s24 =	simm.s32 $0x95F0;
	v17 =	vadd.s32 v2, v11;
	v8 =	vand.u32 $0x7F, v8;
	v12 =	vld [tilespmem:s26+$0xFFFFFF70]  }
0x13c: {  	s31 =	simm.s32 $0x4;
	v18 =	vld [tilespmem:s24+$0xFFFFFFD0];
	v19 =	vadd.s32 v0, v8  }
0x13d: {  	s30 =	simm.s32 $0x5;
	[tilespmem:v16+s17+$0x0] =	vst.idx.msk $0xffff, v15;
	v4 =	vmov s31  }
0x13e: {  	v22 =	vmov s30;
	v4 =	vand.u32 $0x7C, v4;
	[tilespmem:v14+s17+$0x0] =	vst.idx.msk $0xffff, v7  }
0x13f: {  	v20 =	vld [tilespmem:s24+$0xFFFFFF10];
	s31 =	simm.s32 $0x6;
	v21 =	vadd.s32 v0, v4;
	v7 =	vand.u32 $0x7D, v22;
	[tilespmem:v10+s17+$0x0] =	vst.idx.msk $0xffff, v9  }
0x140: {  	v14 =	vmov s31;
	v9 =	vld [tilespmem:s24+$0xFFFFFF50];
	v10 =	vadd.s32 v0, v7;
	[tilespmem:v17+s17+$0x0] =	vst.idx.msk $0xffff, v12  }
0x141: {  	v16 =	vadd.s32 v3, v5;
	v5 =	vand.u32 $0x7E, v14;
	[tilespmem:v19+s17+$0x0] =	vst.idx.msk $0xffff, v18;
	v12 =	vld [tilespmem:s26+$0xFFFFFFB0];
	v18 =	vadd.s32 v2, v13  }
0x142: {  	v14 =	vld [tilespmem:s24+$0xFFFFFF90];
	v63 =	vadd.s32 v0, v5  }
0x143: {  	v15 =	vld [tilespmem:s26+$0x0]  }
0x144: {  	[tilespmem:v21+s17+$0x0] =	vst.idx.msk $0xffff, v20;
	v19 =	vld [tilespmem:s24+$0xFFFFFFE0];
	v20 =	vadd.s32 v1, v8  }
0x145: {  	v23 =	vadd.s32 v1, v4;
	v21 =	vld [tilespmem:s24+$0xFFFFFF20];
	[tilespmem:v10+s17+$0x0] =	vst.idx.msk $0xffff, v9  }
0x146: {  	v25 =	vadd.s32 v3, v11;
	v24 =	vld [tilespmem:s26+$0xFFFFFF80];
	[tilespmem:v18+s17+$0x0] =	vst.idx.msk $0xffff, v12  }
0x147: {  	v18 =	vadd.s32 v1, v7;
	v17 =	vld [tilespmem:s24+$0xFFFFFF60];
	[tilespmem:v63+s17+$0x0] =	vst.idx.msk $0xffff, v14  }
0x148: {  	[tilespmem:v16+s17+$0x0] =	vst.idx.msk $0xffff, v15;
	v16 =	vadd.s32 v1, v5;
	v15 =	vld [tilespmem:s24+$0xFFFFFFA0]  }
0x149: {  	[tilespmem:v20+s17+$0x0] =	vst.idx.msk $0xffff, v19;
	v11 =	vld [tilespmem:s26+$0xFFFFFFC0];
	v14 =	vadd.s32 v3, v13  }
0x14a: {  	v12 =	vadd.s32 v2, v8;
	[tilespmem:v23+s17+$0x0] =	vst.idx.msk $0xffff, v21;
	v9 =	vld [tilespmem:s24+$0xFFFFFFF0]  }
0x14b: {  	s28 =	simm.s32 $0x8;
	s29 =	simm.s32 $0xC;
	s0 =	simm.s32 $0xB;
	v13 =	vadd.s32 v2, v4;
	[tilespmem:v25+s17+$0x0] =	vst.idx.msk $0xffff, v24;
	v10 =	vld [tilespmem:s24+$0xFFFFFF30]  }
.LBB2_15:
0x14c: {  	p0 =	slt.u32 s29, $0x7C;
	v19 =	vmov s0;
	[tilespmem:v18+s17+$0x0] =	vst.idx.msk $0xffff, v17;
	v17 =	vld [tilespmem:s26+$0xFFFFFF40];
	v18 =	vadd.s32 v3, v6;
	v6 =	vmov v4;
	s26 =	smov.u32 s24  }
0x14d: {  	v4 =	vmov s28;
	v21 =	vadd.s32 v2, v7;
	s24 =	sadd.s32 $0x100, s24;
	v19 =	vand.u32 $0x7F, v19;
	v20 =	vld [tilespmem:s26+$0xFFFFFF70];
	[tilespmem:v16+s17+$0x0] =	vst.idx.msk $0xffff, v15  }
0x14e: {  	s0 =	sadd.s32 $0x1, s28;
	v4 =	vand.u32 $0x7C, v4;
	v15 =	vld [tilespmem:s24+$0xFFFFFFD0];
	v16 =	vadd.s32 v0, v19;
	[tilespmem:v14+s17+$0x0] =	vst.idx.msk $0xffff, v11  }
0x14f: {  	v22 =	vmov s0;
	s0 =	sadd.s32 $0x2, s28;
	s28 =	smov.u32 s29;
	v14 =	vadd.s32 v0, v4;
	v11 =	vld [tilespmem:s24+$0xFFFFFF10];
	[tilespmem:v12+s17+$0x0] =	vst.idx.msk $0xffff, v9  }
0x150: {  	v9 =	vand.u32 $0x7D, v22;
	v12 =	vmov s0;
	[tilespmem:v13+s17+$0x0] =	vst.idx.msk $0xffff, v10;
	v10 =	vld [tilespmem:s26+$0x0];
	v13 =	vadd.s32 v3, v8;
	v8 =	vmovc v19  }
0x151: {  	v22 =	vadd.s32 v0, v9;
	v12 =	vand.u32 $0x7E, v12;
	v19 =	vld [tilespmem:s24+$0xFFFFFF50];
	[tilespmem:v18+s17+$0x0] =	vst.idx.msk $0xffff, v17  }
0x152: {  	v24 =	vadd.s32 v0, v12;
	v23 =	vld [tilespmem:s24+$0xFFFFFF90];
	[tilespmem:v21+s17+$0x0] =	vst.idx.msk $0xffff, v20  }
0x153: {  	v21 =	vadd.s32 v2, v5;
	[tilespmem:v16+s17+$0x0] =	vst.idx.msk $0xffff, v15;
	v20 =	vld [tilespmem:s26+$0xFFFFFFB0]  }
0x154: {  	[tilespmem:v14+s17+$0x0] =	vst.idx.msk $0xffff, v11;
	v11 =	vld [tilespmem:s24+$0xFFFFFFE0];
	v14 =	vadd.s32 v1, v8  }
0x155: {  	v26 =	vadd.s32 v1, v4;
	v25 =	vld [tilespmem:s24+$0xFFFFFF20];
	[tilespmem:v13+s17+$0x0] =	vst.idx.msk $0xffff, v10  }
0x156: {  	[tilespmem:v22+s17+$0x0] =	vst.idx.msk $0xffff, v19;
	v19 =	vld [tilespmem:s26+$0xFFFFFF80];
	v22 =	vadd.s32 v3, v7;
	v7 =	vmov v9  }
.Ltmp6:
0x157: {  	v17 =	vld [tilespmem:s24+$0xFFFFFF60];
	v18 =	vadd.s32 v1, v7;
	[tilespmem:v24+s17+$0x0] =	vst.idx.msk $0xffff, v23;
	(pc) =	sbr.rel @p0 .LBB2_15-.Ltmp6, $4  }
0x158: {  	v16 =	vadd.s32 v1, v12;
	v15 =	vld [tilespmem:s24+$0xFFFFFFA0];
	[tilespmem:v21+s17+$0x0] =	vst.idx.msk $0xffff, v20  }
0x159: {  	[tilespmem:v14+s17+$0x0] =	vst.idx.msk $0xffff, v11;
	v11 =	vld [tilespmem:s26+$0xFFFFFFC0];
	v14 =	vadd.s32 v3, v5;
	v5 =	vmov v12  }
0x15a: {  	v12 =	vadd.s32 v2, v8;
	[tilespmem:v26+s17+$0x0] =	vst.idx.msk $0xffff, v25;
	v9 =	vld [tilespmem:s24+$0xFFFFFFF0]  }
0x15b: {  	s29 =	sadd.s32 $0x4, s29;
	s0 =	sadd.s32 $0x3, s28;
	v13 =	vadd.s32 v2, v4;
	v10 =	vld [tilespmem:s24+$0xFFFFFF30];
	[tilespmem:v22+s17+$0x0] =	vst.idx.msk $0xffff, v19  }
0x15c: {  	_ =	sdelay $0x2  }
0x15d: {  	v19 =	vmov s0  }
0x15e: {  	s29 =	sadd.s32 $0x1, s28;
	[tilespmem:v18+s17+$0x0] =	vst.idx.msk $0xffff, v17;
	v30 =	vld [tilespmem:s26+$0xFFFFFF40];
	v6 =	vadd.s32 v3, v6;
	s30 =	sadd.s32 $0x100, s24;
	v21 =	vmov s28;
	v31 =	vand.u32 $0x7F, v19  }
0x15f: {  	s31 =	sadd.s32 $0x2, s28;
	v32 =	vmov s29;
	[tilespmem:v16+s17+$0x0] =	vst.idx.msk $0xffff, v15;
	v33 =	vld [tilespmem:s30+$0xFFFFFFD0];
	v21 =	vand.u32 $0x7C, v21;
	v34 =	vadd.s32 v0, v31  }
0x160: {  	v20 =	vmov s31;
	v22 =	vld [tilespmem:s30+$0xFFFFFF10];
	v19 =	vand.u32 $0x7D, v32;
	[tilespmem:v14+s17+$0x0] =	vst.idx.msk $0xffff, v11;
	v39 =	vadd.s32 v0, v21  }
0x161: {  	v35 =	vld [tilespmem:s30+$0xFFFFFF50];
	v20 =	vand.u32 $0x7E, v20;
	v36 =	vadd.s32 v0, v19;
	[tilespmem:v12+s17+$0x0] =	vst.idx.msk $0xffff, v9  }
0x162: {  	v37 =	vld [tilespmem:s30+$0xFFFFFF90];
	v38 =	vadd.s32 v0, v20;
	[tilespmem:v13+s17+$0x0] =	vst.idx.msk $0xffff, v10  }
0x163: {  	v41 =	vadd.s32 v2, v7;
	v40 =	vld [tilespmem:s24+$0xFFFFFF70];
	[tilespmem:v6+s17+$0x0] =	vst.idx.msk $0xffff, v30  }
0x164: {  	v49 =	vadd.s32 v2, v5;
	v48 =	vld [tilespmem:s24+$0xFFFFFFB0];
	[tilespmem:v34+s17+$0x0] =	vst.idx.msk $0xffff, v33  }
0x165: {  	v43 =	vadd.s32 v1, v31;
	[tilespmem:v39+s17+$0x0] =	vst.idx.msk $0xffff, v22;
	v15 =	vld [tilespmem:s30+$0xFFFFFFE0]  }
0x166: {  	v47 =	vadd.s32 v1, v21;
	[tilespmem:v36+s17+$0x0] =	vst.idx.msk $0xffff, v35;
	v46 =	vld [tilespmem:s30+$0xFFFFFF20]  }
0x167: {  	v44 =	vadd.s32 v1, v19;
	[tilespmem:v38+s17+$0x0] =	vst.idx.msk $0xffff, v37;
	v11 =	vld [tilespmem:s30+$0xFFFFFF60]  }
0x168: {  	v45 =	vadd.s32 v1, v20;
	[tilespmem:v41+s17+$0x0] =	vst.idx.msk $0xffff, v40;
	v9 =	vld [tilespmem:s30+$0xFFFFFFA0]  }
0x169: {  	v8 =	vadd.s32 v3, v8;
	v42 =	vld [tilespmem:s24+$0x0];
	[tilespmem:v49+s17+$0x0] =	vst.idx.msk $0xffff, v48  }
0x16a: {  	v5 =	vadd.s32 v3, v5;
	v13 =	vld [tilespmem:s24+$0xFFFFFFC0];
	[tilespmem:v43+s17+$0x0] =	vst.idx.msk $0xffff, v15  }
0x16b: {  	v52 =	vadd.s32 v2, v31;
	[tilespmem:v47+s17+$0x0] =	vst.idx.msk $0xffff, v46;
	v15 =	vld [tilespmem:s30+$0xFFFFFFF0]  }
0x16c: {  	v57 =	vadd.s32 v2, v21;
	[tilespmem:v44+s17+$0x0] =	vst.idx.msk $0xffff, v11;
	v56 =	vld [tilespmem:s30+$0xFFFFFF30]  }
0x16d: {  	v53 =	vadd.s32 v2, v19;
	[tilespmem:v45+s17+$0x0] =	vst.idx.msk $0xffff, v9;
	v11 =	vld [tilespmem:s30+$0xFFFFFF70]  }
0x16e: {  	v55 =	vadd.s32 v2, v20;
	[tilespmem:v8+s17+$0x0] =	vst.idx.msk $0xffff, v42;
	v54 =	vld [tilespmem:s30+$0xFFFFFFB0]  }
0x16f: {  	v4 =	vadd.s32 v3, v4;
	v58 =	vld [tilespmem:s24+$0xFFFFFF40];
	[tilespmem:v5+s17+$0x0] =	vst.idx.msk $0xffff, v13  }
0x170: {  	v51 =	vadd.s32 v3, v7;
	v50 =	vld [tilespmem:s24+$0xFFFFFF80];
	[tilespmem:v52+s17+$0x0] =	vst.idx.msk $0xffff, v15  }
0x171: {  	v60 =	vadd.s32 v3, v31;
	[tilespmem:v57+s17+$0x0] =	vst.idx.msk $0xffff, v56;
	v59 =	vld [tilespmem:s30+$0x0]  }
0x172: {  	v63 =	vadd.s32 v3, v21;
	[tilespmem:v53+s17+$0x0] =	vst.idx.msk $0xffff, v11;
	v5 =	vld [tilespmem:s30+$0xFFFFFF40]  }
0x173: {  	v61 =	vadd.s32 v3, v19;
	[tilespmem:v55+s17+$0x0] =	vst.idx.msk $0xffff, v54;
	v11 =	vld [tilespmem:s30+$0xFFFFFF80]  }
0x174: {  	v62 =	vadd.s32 v3, v20;
	[tilespmem:v4+s17+$0x0] =	vst.idx.msk $0xffff, v58;
	v6 =	vld [tilespmem:s30+$0xFFFFFFC0]  }
0x175: {  	s29 =	sadd.s32 s5, s25;
	[tilespmem:v51+s17+$0x0] =	vst.idx.msk $0xffff, v50  }
0x176: {  	s30 =	sshll.u32 s29, $0x4;
	[tilespmem:v60+s17+$0x0] =	vst.idx.msk $0xffff, v59  }
0x177: {  	s0 =	sshll.u32 s29, $0xA;
	s24 =	sand.u32 $0x7F0, s30;
	[tilespmem:v63+s17+$0x0] =	vst.idx.msk $0xffff, v5  }
0x178: {  	s0 =	sand.u32 $0xFFE0000, s0;
	s24 =	sadd.s32 s4, s24;
	[tilespmem:v61+s17+$0x0] =	vst.idx.msk $0xffff, v11  }
0x179: {  	s31 =	simm.s32 $0xD600;
	s0 =	sadd.s32 s0, s24;
	s24 =	simm.s32 $0x220;
	[tilespmem:v62+s17+$0x0] =	vst.idx.msk $0xffff, v6  }
0x17a: {  	[hbm4b:s0+s2] =	stream.linear.scatter [tilespmem:s31], [sflag:$0x6], $0x80, $0x38;
	[tilespmem:$0xF800] =	vst v63  }
.LBB2_17:
0x17b: {  	p0 =	sne.s32 s24, $0x85E0  }
.Ltmp7:
0x17c: {  	_ = 	snop;
	(pc) =	sbr.rel @p0 .LBB2_17-.Ltmp7, $4  }
0x17d: {  	_ = 	snop  }
0x17e: {  	s25 =	sshra.s32 s24, $0x2;
	s24 =	sadd.s32 $0x220, s24  }
0x17f: {  	s0 =	sadd.s32 $0x800, s0;
	s25 =	sadd.s32 $0xD600, s25  }
0x180: {  	[hbm4b:s0+s2] =	stream.linear.scatter [tilespmem:s25], [sflag:$0x6], $0x80, $0x38;
	[tilespmem:$0xF800] =	vst v63  }
0x181: {  	s23 =	sadd.s32 $0x1, s23  }
0x182: {  	p0 =	sne.s32 s23, $0x1A  }
.Ltmp8:
0x183: {  	_ = 	snop;
	(pc) =	sbr.rel @p0 .LBB2_2-.Ltmp8, $1  }
0x184: {  	_ =	sdelay $0x3  }
0x185: {  	s22 =	sadd.s32 $0x1, s22  }
0x186: {  	_ =	swait.ge [sflag:s19], $0x2000;
	p0 =	sne.s32 s22, s7  }
.Ltmp9:
0x187: {  	[sflag:s19] =	ssyncset.done $0x0;
	(pc) =	sbr.rel @p0 .LBB2_1-.Ltmp9, $4  }
0x188: {  	[sflag:s19] =	ssyncadd.s32 $0xFFFFE000  }
0x189: {  	_ =	swait.ge [sflag:s21], $0x2000  }
0x18a: {  	[sflag:s21] =	ssyncset.done $0x0  }
0x18b: {  	[sflag:s21] =	ssyncadd.s32 $0xFFFFE000  }
0x18c: {  	_ =	sfence.sel $0x180000  }
0x18d: {  	[bflag:$0x0] =	sbarrier.arrive $0xFFFF  }
0x18e: {  	_ =	strace $0x90000047  }
0x18f: {  	[bflag:$0x2] =	sbarrier.arrive $0xFFFF  }
0x190: {  	p0 =	sne.s32 s1, $0x0;
	s0 =	rddreg [dreg:$0x2]  }
0x191: {  	s0 =	sadd.s32 @!p0 $0x100000, s0  }
0x192: {  	[sflag:s0] =	ssyncadd.tile.s32 @!p0 $0x1;
	_ =	shalt  }
.Lfunc_end2:
_tile_overlayer_lowered:
.L_overlay_start_2:
0x193: {  	(tag) =	ssettag $0x2  }
0x194: {  	s0 =	rddreg [dreg:$0x0];
	s2 =	stileid.u32  }
0x195: {  	s1 =	rddreg [dreg:$0x1];
	p0 =	sne.s32 s2, $0x0  }
0x196: {  	s3 =	rddreg [dreg:$0x2];
	[bflag:$0x3] =	sbarrier.arrive $0xFFFF;
	s2 =	simm.s32 @!p0 $0x1C07  }
0x197: {  	[timem:s3], [sflag:s2] =	dma.local @!p0 [hbm:s0], s1  }
0x198: {  	s0 =	simm.s32 @!p0 $0x7  }
0x199: {  	_ =	swait.ge @!p0 [sflag:s0], s1  }
0x19a: {  	s1 =	ssub.s32 @!p0 $0x0, s1;
	[sflag:s0] =	ssyncset.done @!p0 $0x0  }
0x19b: {  	[sflag:s0] =	ssyncadd.s32 @!p0 s1  }
0x19c: {  	[bflag:$0x3] =	sbarrier.arrive $0xFFFF  }
0x19d: {  	_ =	shalt  }

</sc_bundles>
